<compile_context>
chip_gen: v7x
topology: tpu7x:2x2x1
jax: 0.10.2.dev20260603
libtpu: 0.0.44.dev20260713+nightly
codegen_flags: <defaults>
</compile_context>

<pallas_src>
import functools

import jax
import jax.numpy as jnp
from jax import lax
from jax.experimental import pallas as pl
from jax.experimental.pallas import tpu as pltpu
from jax.experimental.pallas import tpu_sc as plsc

_N = 10000
_D = 128
_E = 320000

_NC = 2
_NS = 16
_NW = _NC * _NS
_NPW = 320
_NSEG = _NW * _NPW
_S = 16000
_NCHUNK = _E // _S
_G = 32
_D2 = _D // 2
_Q = _S // 4
_B = _Q + 16


def _segmin_body(src_hbm, dst_hbm, x_hbm, out_hbm, stag_src, stag_dst,
                 sel_src, sel_dl, gbuf0, gbuf1, acc, sem0, sem1, sem2):
    wid = lax.axis_index("s") * _NC + lax.axis_index("c")
    lo = wid * _NPW
    hi = lo + _NPW

    inf2 = jnp.full((16,), 0x7F807F80, dtype=jnp.int32)
    zero16 = jnp.zeros((16,), dtype=jnp.int32)

    def init_body(r, _):
        for f in range(_D2 // 16):
            acc[r, pl.ds(f * 16, 16)] = inf2
        return 0
    lax.fori_loop(0, _NPW + 1, init_body, 0)

    def selinit_body(r, _):
        sel_src[pl.ds(r * 16, 16)] = zero16
        return 0
    lax.fori_loop(0, (4 * _B + 4 * _G) // 16, selinit_body, 0)

    iota16 = lax.iota(jnp.int32, 16)

    def start_block(off, gbuf, sem):
        pltpu.async_copy(x_hbm.at[sel_src.at[pl.ds(off, _G)]], gbuf, sem)

    def wait_block(gbuf, sem):
        pltpu.make_async_copy(x_hbm.at[pl.ds(0, _G)], gbuf, sem).wait()

    def accum(base, gbuf):
        return
        def jbody(j, _):
            dlvec = sel_dl[pl.ds(base + j * 16, 16)]
            for e16 in range(16):
                dl = dlvec[e16]
                for f in range(_D2 // 16):
                    sl = pl.ds(f * 16, 16)
                    av = plsc.bitcast(acc[dl, sl], jnp.bfloat16)
                    gv = plsc.bitcast(gbuf[j * 16 + e16, sl],
                                      jnp.bfloat16)
                    acc[dl, sl] = plsc.bitcast(jnp.minimum(av, gv),
                                               jnp.int32)
            return 0
        lax.fori_loop(0, _G // 16, jbody, 0)

    def start_stag(c):
        off = c * _S
        pltpu.async_copy(src_hbm.at[pl.ds(off, _S)], stag_src, sem2)
        pltpu.async_copy(dst_hbm.at[pl.ds(off, _S)], stag_dst, sem2)

    def wait_stag():
        pltpu.make_async_copy(src_hbm.at[pl.ds(0, _S)], stag_src,
                              sem2).wait()
        pltpu.make_async_copy(dst_hbm.at[pl.ds(0, _S)], stag_dst,
                              sem2).wait()

    start_stag(0)

    def chunk_body(c, _):
        wait_stag()

        def scan_body(i, ptrs):
            new = []
            for u in range(4):
                d = stag_dst[pl.ds(u * _Q + i * 16, 16)]
                s = stag_src[pl.ds(u * _Q + i * 16, 16)]
                m = (d >= lo) & (d < hi)
                plsc.store_compressed(sel_src.at[pl.ds(ptrs[u], 16)], s,
                                      mask=m)
                plsc.store_compressed(sel_dl.at[pl.ds(ptrs[u], 16)],
                                      d - lo, mask=m)
                new.append(ptrs[u] +
                           plsc.all_reduce_population_count(m)[0])
            return tuple(new)

        ptrs = lax.fori_loop(
            0, _Q // 16, scan_body,
            tuple(jnp.int32(u * _B) for u in range(4)))

        mc = ptrs[0]
        for u in range(1, 4):
            cu = ptrs[u] - u * _B

            def mbody(j, mp, u=u, cu=cu):
                vs = sel_src[pl.ds(u * _B + j * 16, 16)]
                vd = sel_dl[pl.ds(u * _B + j * 16, 16)]
                m = iota16 < (cu - j * 16)
                plsc.store_compressed(sel_src.at[pl.ds(mp, 16)], vs,
                                      mask=m)
                plsc.store_compressed(sel_dl.at[pl.ds(mp, 16)], vd,
                                      mask=m)
                return mp + jnp.minimum(16, cu - j * 16)

            mc = lax.fori_loop(0, (cu + 15) // 16, mbody, mc)

        for o in range(0, 2 * _G, 16):
            ppos = mc + o + iota16
            plsc.store_scatter(sel_src, [ppos], iota16 + o)
            plsc.store_scatter(sel_dl, [ppos], jnp.full((16,), _NPW,
                                                        jnp.int32))

        nb2 = (mc + 2 * _G - 1) // (2 * _G)

        @pl.when(c + 1 < _NCHUNK)
        def _():
            start_stag(c + 1)

        @pl.when(nb2 > 0)
        def _():
            start_block(0, gbuf0, sem0)

        def pair_body(k, _):
            start_block((2 * k + 1) * _G, gbuf1, sem1)
            wait_block(gbuf0, sem0)
            accum(2 * k * _G, gbuf0)
            start_block((2 * k + 2) * _G, gbuf0, sem0)
            wait_block(gbuf1, sem1)
            accum((2 * k + 1) * _G, gbuf1)
            return 0

        lax.fori_loop(0, nb2, pair_body, 0)

        @pl.when(nb2 > 0)
        def _():
            wait_block(gbuf0, sem0)

        return 0

    lax.fori_loop(0, _NCHUNK, chunk_body, 0)

    pltpu.sync_copy(acc.at[pl.ds(0, _NPW)], out_hbm.at[pl.ds(lo, _NPW)])


@functools.partial(
    pl.kernel,
    out_type=jax.ShapeDtypeStruct((_NSEG, _D2), jnp.int32),
    mesh=plsc.VectorSubcoreMesh(core_axis_name="c", subcore_axis_name="s"),
    compiler_params=pltpu.CompilerParams(needs_layout_passes=False),
    scratch_types=[
        pltpu.VMEM((_S,), jnp.int32),
        pltpu.VMEM((_S,), jnp.int32),
        pltpu.VMEM((4 * _B + 4 * _G,), jnp.int32),
        pltpu.VMEM((4 * _B + 4 * _G,), jnp.int32),
        pltpu.VMEM((_G, _D), jnp.int32),
        pltpu.VMEM((_G, _D), jnp.int32),
        pltpu.VMEM((_NPW + 1, _D2), jnp.int32),
        pltpu.SemaphoreType.DMA,
        pltpu.SemaphoreType.DMA,
        pltpu.SemaphoreType.DMA,
    ],
)
def _segmin_sc(src_hbm, dst_hbm, x_hbm, out_hbm, stag_src, stag_dst,
               sel_src, sel_dl, gbuf0, gbuf1, acc, sem0, sem1, sem2):
    _segmin_body(src_hbm, dst_hbm, x_hbm, out_hbm, stag_src, stag_dst,
                 sel_src, sel_dl, gbuf0, gbuf1, acc, sem0, sem1, sem2)


_BLK = 1000


def _dense_body(x_ref, sm_ref, w_ref, b_ref, o_ref):
    xb = x_ref[...]
    smb = sm_ref[...].astype(jnp.float32)
    md = jnp.where(smb < jnp.float32(jnp.inf), xb - smb, jnp.float32(0.0))
    h = jnp.dot(xb, w_ref[0:_D, :], preferred_element_type=jnp.float32)
    h += jnp.dot(md, w_ref[_D:2 * _D, :], preferred_element_type=jnp.float32)
    o_ref[...] = jnp.maximum(h + b_ref[...], jnp.float32(0.0))


def _dense_epilogue(x, segmin, W, b):
    b2 = b.reshape(1, _D)
    return pl.pallas_call(
        _dense_body,
        grid=(_N // _BLK,),
        in_specs=[
            pl.BlockSpec((_BLK, _D), lambda i: (i, 0)),
            pl.BlockSpec((_BLK, _D), lambda i: (i, 0)),
            pl.BlockSpec((2 * _D, _D), lambda i: (0, 0)),
            pl.BlockSpec((1, _D), lambda i: (0, 0)),
        ],
        out_specs=pl.BlockSpec((_BLK, _D), lambda i: (i, 0)),
        out_shape=jax.ShapeDtypeStruct((_N, _D), jnp.float32),
    )(x, segmin, W, b2)


def kernel(x, edge_index, W, b):
    src = edge_index[0]
    dst = edge_index[1]
    xpad = jnp.concatenate(
        [x.astype(jnp.bfloat16),
         jnp.zeros((_N, _D), jnp.bfloat16)], axis=1)
    xb = jax.lax.bitcast_convert_type(
        xpad.reshape(_N, _D, 2), jnp.int32)
    seg = _segmin_sc(src, dst, xb)
    segmin = jax.lax.bitcast_convert_type(
        seg, jnp.bfloat16).reshape(_NSEG, _D)
    return _dense_epilogue(x, segmin, W, b)

# --- scband reference (transcript-rebuilt; emitter-appended) ---
"""Pipeline reference for scband-mrconv-83777632076273 (READ-ONLY COPY).

The authoritative reference and input builder live on the scoring server;
editing this copy changes nothing except your own understanding.
"""

import jax, jax.numpy as jnp
import numpy as np

N_NODES = 10000
N_EDGES = 320000
D_IN = 128
D_OUT = 128


def setup_inputs(seed: int = 0) -> dict:
    key = jax.random.key(seed)
    k1, k2, k3 = jax.random.split(key, 3)
    x = jax.random.normal(k1, (N_NODES, D_IN), dtype=jnp.float32)
    # DGL graph is represented as (src, dst) edge index pairs
    edge_index = jax.random.randint(k2, (2, N_EDGES), 0, N_NODES, dtype=jnp.int32)
    # Parameters of nn.Linear(in_channels * 2, out_channels, bias=True)
    W = jax.random.normal(k3, (2 * D_IN, D_OUT), dtype=jnp.float32) * (1.0 / np.sqrt(2 * D_IN))
    b = jnp.zeros((D_OUT,), dtype=jnp.float32)
    return {"x": x, "edge_index": edge_index, "W": W, "b": b}


def reference(x, edge_index, W, b):
    src = edge_index[0]
    dst = edge_index[1]
    # apply_edges: diff = h[dst] - h[src]   (gather)
    diff = jnp.take(x, dst, axis=0) - jnp.take(x, src, axis=0)
    # update_all(copy_e, max): per-dst-node max over incoming edge messages (scatter-max)
    max_diff = jax.ops.segment_max(diff, dst, num_segments=x.shape[0])
    # Nodes with no incoming edges get -inf from segment_max; DGL zero-fills them
    max_diff = jnp.where(jnp.isfinite(max_diff), max_diff, jnp.zeros_like(max_diff))
    concat_features = jnp.concatenate([x, max_diff], axis=1)
    out = concat_features @ W + b
    return jax.nn.relu(out)

if __name__ == "__main__":
    import jax
    _d = setup_inputs()
    print(jax.jit(kernel)(*tuple(_d.values())))

</pallas_src>

<mosaic_0001>
#map = affine_map<(d0, d1) -> (0)>
#map1 = affine_map<(d0, d1) -> (0, 0)>
module attributes {stable_mosaic.version = 14 : i64} {
  func.func @_segmin_sc(%arg0: i32, %arg1: i32, %arg2: memref<320000xi32, #tpu.memory_space<hbm>>, %arg3: memref<320000xi32, #tpu.memory_space<hbm>>, %arg4: memref<10000x128xi32, #tpu.memory_space<hbm>>, %arg5: memref<10240x64xi32, #tpu.memory_space<hbm>>, %arg6: memref<16000xi32, #tpu.memory_space<vmem>>, %arg7: memref<16000xi32, #tpu.memory_space<vmem>>, %arg8: memref<16192xi32, #tpu.memory_space<vmem>>, %arg9: memref<16192xi32, #tpu.memory_space<vmem>>, %arg10: memref<32x128xi32, #tpu.memory_space<vmem>>, %arg11: memref<32x128xi32, #tpu.memory_space<vmem>>, %arg12: memref<321x64xi32, #tpu.memory_space<vmem>>, %arg13: memref<!tpu.dma_semaphore, #tpu.memory_space<semaphore_mem>>, %arg14: memref<!tpu.dma_semaphore, #tpu.memory_space<semaphore_mem>>, %arg15: memref<!tpu.dma_semaphore, #tpu.memory_space<semaphore_mem>>) attributes {dimension_semantics = [#tpu.dimension_semantics<core_parallel>, #tpu.dimension_semantics<subcore_parallel>], iteration_bounds = array<i64: 2, 16>, scalar_prefetch = 0 : i64, scratch_operands = 10 : i64, tpu.core_type = #tpu.core_type<sc_vector_subcore>, window_params = [{transform_indices = #map}, {transform_indices = #map}, {transform_indices = #map1}, {transform_indices = #map1}]} {
    %mul3A = arith.constant 2 : i32
    %mul3A_0 = arith.muli %arg1, %mul3A : i32
    %add3A = arith.addi %mul3A_0, %arg0 : i32
    %mul3A_1 = arith.constant 320 : i32
    %mul3A_2 = arith.muli %add3A, %mul3A_1 : i32
    %add3A_3 = arith.constant 320 : i32
    %add3A_4 = arith.addi %mul3A_2, %add3A_3 : i32
    %broadcast_in_dim3A = arith.constant 2139127680 : i32
    %broadcast_in_dim3A_5 = vector.broadcast %broadcast_in_dim3A : i32 to vector<16xi32>
    %broadcast_in_dim3A_6 = arith.constant 0 : i32
    %broadcast_in_dim3A_7 = vector.broadcast %broadcast_in_dim3A_6 : i32 to vector<16xi32>
    %scan3A = arith.constant 0 : i32
    %scan3A_8 = arith.constant 0 : i32
    %scan3A_9 = arith.constant 321 : i32
    %scan3A_10 = arith.addi %scan3A_8, %scan3A_9 : i32
    %scan3A_11 = arith.constant 1 : i32
    %scan3A_12 = scf.for %scan3A_35 = %scan3A_8 to %scan3A_10 step %scan3A_11 iter_args(%scan3A_36 = %scan3A) -> (i32)  : i32 {
      %swap3A = arith.index_cast %scan3A_35 : i32 to index
      %swap3A_37 = arith.constant 0 : index
      %swap3A_38 = tpu.vector_load %arg12[%swap3A, %swap3A_37] {strides = array<i32>} : memref<321x64xi32, #tpu.memory_space<vmem>>, vector<16xi32>,
      tpu.vector_store %arg12[%swap3A, %swap3A_37], %broadcast_in_dim3A_5 {strides = array<i32>} : memref<321x64xi32, #tpu.memory_space<vmem>>, vector<16xi32>,
      %swap3A_39 = arith.index_cast %scan3A_35 : i32 to index
      %swap3A_40 = arith.constant 16 : index
      %swap3A_41 = tpu.vector_load %arg12[%swap3A_39, %swap3A_40] {strides = array<i32>} : memref<321x64xi32, #tpu.memory_space<vmem>>, vector<16xi32>,
      tpu.vector_store %arg12[%swap3A_39, %swap3A_40], %broadcast_in_dim3A_5 {strides = array<i32>} : memref<321x64xi32, #tpu.memory_space<vmem>>, vector<16xi32>,
      %swap3A_42 = arith.index_cast %scan3A_35 : i32 to index
      %swap3A_43 = arith.constant 32 : index
      %swap3A_44 = tpu.vector_load %arg12[%swap3A_42, %swap3A_43] {strides = array<i32>} : memref<321x64xi32, #tpu.memory_space<vmem>>, vector<16xi32>,
      tpu.vector_store %arg12[%swap3A_42, %swap3A_43], %broadcast_in_dim3A_5 {strides = array<i32>} : memref<321x64xi32, #tpu.memory_space<vmem>>, vector<16xi32>,
      %swap3A_45 = arith.index_cast %scan3A_35 : i32 to index
      %swap3A_46 = arith.constant 48 : index
      %swap3A_47 = tpu.vector_load %arg12[%swap3A_45, %swap3A_46] {strides = array<i32>} : memref<321x64xi32, #tpu.memory_space<vmem>>, vector<16xi32>,
      tpu.vector_store %arg12[%swap3A_45, %swap3A_46], %broadcast_in_dim3A_5 {strides = array<i32>} : memref<321x64xi32, #tpu.memory_space<vmem>>, vector<16xi32>,
      %scan3A_48 = arith.constant 0 : i32
      scf.yield %scan3A_48 : i32
    }
    %scan3A_13 = arith.constant 321 : i32
    %scan3A_14 = arith.constant 0 : i32
    %scan3A_15 = arith.constant 0 : i32
    %scan3A_16 = arith.constant 1012 : i32
    %scan3A_17 = arith.addi %scan3A_15, %scan3A_16 : i32
    %scan3A_18 = arith.constant 1 : i32
    %scan3A_19 = scf.for %scan3A_35 = %scan3A_15 to %scan3A_17 step %scan3A_18 iter_args(%scan3A_36 = %scan3A_14) -> (i32)  : i32 {
      %mul3A_37 = arith.constant 16 : i32
      %mul3A_38 = arith.muli %scan3A_35, %mul3A_37 : i32
      %swap3A = arith.index_cast %mul3A_38 : i32 to index
      %swap3A_39 = tpu.vector_load %arg8[%swap3A] {strides = array<i32>} : memref<16192xi32, #tpu.memory_space<vmem>>, vector<16xi32>,
      tpu.vector_store %arg8[%swap3A], %broadcast_in_dim3A_7 {strides = array<i32>} : memref<16192xi32, #tpu.memory_space<vmem>>, vector<16xi32>,
      %scan3A_40 = arith.constant 0 : i32
      scf.yield %scan3A_40 : i32
    }
    %scan3A_20 = arith.constant 1012 : i32
    %iota3A = tpu.iota {dimensions = array<i32: 0>} : vector<16xi32>
    %dma_start3A = arith.constant 0 : i32
    %dma_start3A_21 = tpu.memref_slice %arg2[%dma_start3A] : memref<320000xi32, #tpu.memory_space<hbm>> -> memref<16000xi32, #tpu.memory_space<hbm>>
    %dma_start3A_22 = arith.constant 0 : i32
    %dma_start3A_23 = tpu.memref_slice %arg2[%dma_start3A_22] : memref<320000xi32, #tpu.memory_space<hbm>> -> memref<16000xi32, #tpu.memory_space<hbm>>
    tpu.enqueue_dma source(%dma_start3A_23 : memref<16000xi32, #tpu.memory_space<hbm>>) target(%arg6 : memref<16000xi32, #tpu.memory_space<vmem>>) target_semaphore(%arg15 : memref<!tpu.dma_semaphore, #tpu.memory_space<semaphore_mem>>)
    %dma_start3A_24 = arith.constant 0 : i32
    %dma_start3A_25 = tpu.memref_slice %arg3[%dma_start3A_24] : memref<320000xi32, #tpu.memory_space<hbm>> -> memref<16000xi32, #tpu.memory_space<hbm>>
    %dma_start3A_26 = arith.constant 0 : i32
    %dma_start3A_27 = tpu.memref_slice %arg3[%dma_start3A_26] : memref<320000xi32, #tpu.memory_space<hbm>> -> memref<16000xi32, #tpu.memory_space<hbm>>
    tpu.enqueue_dma source(%dma_start3A_27 : memref<16000xi32, #tpu.memory_space<hbm>>) target(%arg7 : memref<16000xi32, #tpu.memory_space<vmem>>) target_semaphore(%arg15 : memref<!tpu.dma_semaphore, #tpu.memory_space<semaphore_mem>>)
    %scan3A_28 = arith.constant 0 : i32
    %scan3A_29 = arith.constant 0 : i32
    %scan3A_30 = arith.constant 20 : i32
    %scan3A_31 = arith.addi %scan3A_29, %scan3A_30 : i32
    %scan3A_32 = arith.constant 1 : i32
    %scan3A_33 = scf.for %scan3A_35 = %scan3A_29 to %scan3A_31 step %scan3A_32 iter_args(%scan3A_36 = %scan3A_28) -> (i32)  : i32 {
      %dma_wait3A = arith.constant 0 : i32
      %dma_wait3A_37 = tpu.memref_slice %arg2[%dma_wait3A] : memref<320000xi32, #tpu.memory_space<hbm>> -> memref<16000xi32, #tpu.memory_space<hbm>>
      %dma_wait3A_38 = arith.constant 0 : i32
      %dma_wait3A_39 = tpu.memref_slice %arg2[%dma_wait3A_38] : memref<320000xi32, #tpu.memory_space<hbm>> -> memref<16000xi32, #tpu.memory_space<hbm>>
      tpu.wait_dma2 semaphore(%arg15 : memref<!tpu.dma_semaphore, #tpu.memory_space<semaphore_mem>>) src(%dma_wait3A_39 : memref<16000xi32, #tpu.memory_space<hbm>>) dst(%arg6 : memref<16000xi32, #tpu.memory_space<vmem>>)
      %dma_wait3A_40 = arith.constant 0 : i32
      %dma_wait3A_41 = tpu.memref_slice %arg3[%dma_wait3A_40] : memref<320000xi32, #tpu.memory_space<hbm>> -> memref<16000xi32, #tpu.memory_space<hbm>>
      %dma_wait3A_42 = arith.constant 0 : i32
      %dma_wait3A_43 = tpu.memref_slice %arg3[%dma_wait3A_42] : memref<320000xi32, #tpu.memory_space<hbm>> -> memref<16000xi32, #tpu.memory_space<hbm>>
      tpu.wait_dma2 semaphore(%arg15 : memref<!tpu.dma_semaphore, #tpu.memory_space<semaphore_mem>>) src(%dma_wait3A_43 : memref<16000xi32, #tpu.memory_space<hbm>>) dst(%arg7 : memref<16000xi32, #tpu.memory_space<vmem>>)
      %scan3A_44 = arith.constant 0 : i32
      %scan3A_45 = arith.constant 4016 : i32
      %scan3A_46 = arith.constant 8032 : i32
      %scan3A_47 = arith.constant 12048 : i32
      %scan3A_48 = arith.constant 0 : i32
      %scan3A_49 = arith.constant 250 : i32
      %scan3A_50 = arith.addi %scan3A_48, %scan3A_49 : i32
      %scan3A_51 = arith.constant 1 : i32
      %scan3A_52:4 = scf.for %scan3A_252 = %scan3A_48 to %scan3A_50 step %scan3A_51 iter_args(%scan3A_253 = %scan3A_44, %scan3A_254 = %scan3A_45, %scan3A_255 = %scan3A_46, %scan3A_256 = %scan3A_47) -> (i32, i32, i32, i32)  : i32 {
        %mul3A_257 = arith.constant 16 : i32
        %mul3A_258 = arith.muli %scan3A_252, %mul3A_257 : i32
        %add3A_259 = arith.constant 0 : i32
        %add3A_260 = arith.addi %add3A_259, %mul3A_258 : i32
        %get3A = arith.index_cast %add3A_260 : i32 to index
        %get3A_261 = tpu.vector_load %arg7[%get3A] {strides = array<i32>} : memref<16000xi32, #tpu.memory_space<vmem>>, vector<16xi32>,
        %mul3A_262 = arith.constant 16 : i32
        %mul3A_263 = arith.muli %scan3A_252, %mul3A_262 : i32
        %add3A_264 = arith.constant 0 : i32
        %add3A_265 = arith.addi %add3A_264, %mul3A_263 : i32
        %get3A_266 = arith.index_cast %add3A_265 : i32 to index
        %get3A_267 = tpu.vector_load %arg6[%get3A_266] {strides = array<i32>} : memref<16000xi32, #tpu.memory_space<vmem>>, vector<16xi32>,
        %ge3A = vector.broadcast %mul3A_2 : i32 to vector<16xi32>
        %ge3A_268 = arith.cmpi sge, %get3A_261, %ge3A : vector<16xi32>
        %lt3A_269 = vector.broadcast %add3A_4 : i32 to vector<16xi32>
        %lt3A_270 = arith.cmpi slt, %get3A_261, %lt3A_269 : vector<16xi32>
        %and3A_271 = arith.andi %ge3A_268, %lt3A_270 : vector<16xi1>
        %swap3A = arith.index_cast %scan3A_253 : i32 to index
        %swap3A_272 = tpu.vector_load %arg8[%swap3A] masked %and3A_271 {strides = array<i32>} : memref<16192xi32, #tpu.memory_space<vmem>>, vector<16xi32>, vector<16xi1>
        tpu.vector_store %arg8[%swap3A], %get3A_267 masked %and3A_271 {strides = array<i32>} : memref<16192xi32, #tpu.memory_space<vmem>>, vector<16xi32>, vector<16xi1>
        %sub3A_273 = vector.broadcast %mul3A_2 : i32 to vector<16xi32>
        %sub3A_274 = arith.subi %get3A_261, %sub3A_273 : vector<16xi32>
        %swap3A_275 = arith.index_cast %scan3A_253 : i32 to index
        %swap3A_276 = tpu.vector_load %arg9[%swap3A_275] masked %and3A_271 {strides = array<i32>} : memref<16192xi32, #tpu.memory_space<vmem>>, vector<16xi32>, vector<16xi1>
        tpu.vector_store %arg9[%swap3A_275], %sub3A_274 masked %and3A_271 {strides = array<i32>} : memref<16192xi32, #tpu.memory_space<vmem>>, vector<16xi32>, vector<16xi1>
        %all_reduce_population_count3A = tpu.all_reduce %and3A_271 {dim = 0 : i64, kind = #tpu.reduction_kind<sum>} : vector<16xi1> -> vector<16xi32>
        %slice3A = vector.extract_strided_slice %all_reduce_population_count3A {offsets = [0], sizes = [1], strides = [1]} : vector<16xi32> to vector<1xi32>
        %squeeze3A = vector.extract %slice3A[0] : i32 from vector<1xi32>
        %add3A_277 = arith.addi %scan3A_253, %squeeze3A : i32
        %mul3A_278 = arith.constant 16 : i32
        %mul3A_279 = arith.muli %scan3A_252, %mul3A_278 : i32
        %add3A_280 = arith.constant 4000 : i32
        %add3A_281 = arith.addi %add3A_280, %mul3A_279 : i32
        %get3A_282 = arith.index_cast %add3A_281 : i32 to index
        %get3A_283 = tpu.vector_load %arg7[%get3A_282] {strides = array<i32>} : memref<16000xi32, #tpu.memory_space<vmem>>, vector<16xi32>,
        %mul3A_284 = arith.constant 16 : i32
        %mul3A_285 = arith.muli %scan3A_252, %mul3A_284 : i32
        %add3A_286 = arith.constant 4000 : i32
        %add3A_287 = arith.addi %add3A_286, %mul3A_285 : i32
        %get3A_288 = arith.index_cast %add3A_287 : i32 to index
        %get3A_289 = tpu.vector_load %arg6[%get3A_288] {strides = array<i32>} : memref<16000xi32, #tpu.memory_space<vmem>>, vector<16xi32>,
        %ge3A_290 = vector.broadcast %mul3A_2 : i32 to vector<16xi32>
        %ge3A_291 = arith.cmpi sge, %get3A_283, %ge3A_290 : vector<16xi32>
        %lt3A_292 = vector.broadcast %add3A_4 : i32 to vector<16xi32>
        %lt3A_293 = arith.cmpi slt, %get3A_283, %lt3A_292 : vector<16xi32>
        %and3A_294 = arith.andi %ge3A_291, %lt3A_293 : vector<16xi1>
        %swap3A_295 = arith.index_cast %scan3A_254 : i32 to index
        %swap3A_296 = tpu.vector_load %arg8[%swap3A_295] masked %and3A_294 {strides = array<i32>} : memref<16192xi32, #tpu.memory_space<vmem>>, vector<16xi32>, vector<16xi1>
        tpu.vector_store %arg8[%swap3A_295], %get3A_289 masked %and3A_294 {strides = array<i32>} : memref<16192xi32, #tpu.memory_space<vmem>>, vector<16xi32>, vector<16xi1>
        %sub3A_297 = vector.broadcast %mul3A_2 : i32 to vector<16xi32>
        %sub3A_298 = arith.subi %get3A_283, %sub3A_297 : vector<16xi32>
        %swap3A_299 = arith.index_cast %scan3A_254 : i32 to index
        %swap3A_300 = tpu.vector_load %arg9[%swap3A_299] masked %and3A_294 {strides = array<i32>} : memref<16192xi32, #tpu.memory_space<vmem>>, vector<16xi32>, vector<16xi1>
        tpu.vector_store %arg9[%swap3A_299], %sub3A_298 masked %and3A_294 {strides = array<i32>} : memref<16192xi32, #tpu.memory_space<vmem>>, vector<16xi32>, vector<16xi1>
        %all_reduce_population_count3A_301 = tpu.all_reduce %and3A_294 {dim = 0 : i64, kind = #tpu.reduction_kind<sum>} : vector<16xi1> -> vector<16xi32>
        %slice3A_302 = vector.extract_strided_slice %all_reduce_population_count3A_301 {offsets = [0], sizes = [1], strides = [1]} : vector<16xi32> to vector<1xi32>
        %squeeze3A_303 = vector.extract %slice3A_302[0] : i32 from vector<1xi32>
        %add3A_304 = arith.addi %scan3A_254, %squeeze3A_303 : i32
        %mul3A_305 = arith.constant 16 : i32
        %mul3A_306 = arith.muli %scan3A_252, %mul3A_305 : i32
        %add3A_307 = arith.constant 8000 : i32
        %add3A_308 = arith.addi %add3A_307, %mul3A_306 : i32
        %get3A_309 = arith.index_cast %add3A_308 : i32 to index
        %get3A_310 = tpu.vector_load %arg7[%get3A_309] {strides = array<i32>} : memref<16000xi32, #tpu.memory_space<vmem>>, vector<16xi32>,
        %mul3A_311 = arith.constant 16 : i32
        %mul3A_312 = arith.muli %scan3A_252, %mul3A_311 : i32
        %add3A_313 = arith.constant 8000 : i32
        %add3A_314 = arith.addi %add3A_313, %mul3A_312 : i32
        %get3A_315 = arith.index_cast %add3A_314 : i32 to index
        %get3A_316 = tpu.vector_load %arg6[%get3A_315] {strides = array<i32>} : memref<16000xi32, #tpu.memory_space<vmem>>, vector<16xi32>,
        %ge3A_317 = vector.broadcast %mul3A_2 : i32 to vector<16xi32>
        %ge3A_318 = arith.cmpi sge, %get3A_310, %ge3A_317 : vector<16xi32>
        %lt3A_319 = vector.broadcast %add3A_4 : i32 to vector<16xi32>
        %lt3A_320 = arith.cmpi slt, %get3A_310, %lt3A_319 : vector<16xi32>
        %and3A_321 = arith.andi %ge3A_318, %lt3A_320 : vector<16xi1>
        %swap3A_322 = arith.index_cast %scan3A_255 : i32 to index
        %swap3A_323 = tpu.vector_load %arg8[%swap3A_322] masked %and3A_321 {strides = array<i32>} : memref<16192xi32, #tpu.memory_space<vmem>>, vector<16xi32>, vector<16xi1>
        tpu.vector_store %arg8[%swap3A_322], %get3A_316 masked %and3A_321 {strides = array<i32>} : memref<16192xi32, #tpu.memory_space<vmem>>, vector<16xi32>, vector<16xi1>
        %sub3A_324 = vector.broadcast %mul3A_2 : i32 to vector<16xi32>
        %sub3A_325 = arith.subi %get3A_310, %sub3A_324 : vector<16xi32>
        %swap3A_326 = arith.index_cast %scan3A_255 : i32 to index
        %swap3A_327 = tpu.vector_load %arg9[%swap3A_326] masked %and3A_321 {strides = array<i32>} : memref<16192xi32, #tpu.memory_space<vmem>>, vector<16xi32>, vector<16xi1>
        tpu.vector_store %arg9[%swap3A_326], %sub3A_325 masked %and3A_321 {strides = array<i32>} : memref<16192xi32, #tpu.memory_space<vmem>>, vector<16xi32>, vector<16xi1>
        %all_reduce_population_count3A_328 = tpu.all_reduce %and3A_321 {dim = 0 : i64, kind = #tpu.reduction_kind<sum>} : vector<16xi1> -> vector<16xi32>
        %slice3A_329 = vector.extract_strided_slice %all_reduce_population_count3A_328 {offsets = [0], sizes = [1], strides = [1]} : vector<16xi32> to vector<1xi32>
        %squeeze3A_330 = vector.extract %slice3A_329[0] : i32 from vector<1xi32>
        %add3A_331 = arith.addi %scan3A_255, %squeeze3A_330 : i32
        %mul3A_332 = arith.constant 16 : i32
        %mul3A_333 = arith.muli %scan3A_252, %mul3A_332 : i32
        %add3A_334 = arith.constant 12000 : i32
        %add3A_335 = arith.addi %add3A_334, %mul3A_333 : i32
        %get3A_336 = arith.index_cast %add3A_335 : i32 to index
        %get3A_337 = tpu.vector_load %arg7[%get3A_336] {strides = array<i32>} : memref<16000xi32, #tpu.memory_space<vmem>>, vector<16xi32>,
        %mul3A_338 = arith.constant 16 : i32
        %mul3A_339 = arith.muli %scan3A_252, %mul3A_338 : i32
        %add3A_340 = arith.constant 12000 : i32
        %add3A_341 = arith.addi %add3A_340, %mul3A_339 : i32
        %get3A_342 = arith.index_cast %add3A_341 : i32 to index
        %get3A_343 = tpu.vector_load %arg6[%get3A_342] {strides = array<i32>} : memref<16000xi32, #tpu.memory_space<vmem>>, vector<16xi32>,
        %ge3A_344 = vector.broadcast %mul3A_2 : i32 to vector<16xi32>
        %ge3A_345 = arith.cmpi sge, %get3A_337, %ge3A_344 : vector<16xi32>
        %lt3A_346 = vector.broadcast %add3A_4 : i32 to vector<16xi32>
        %lt3A_347 = arith.cmpi slt, %get3A_337, %lt3A_346 : vector<16xi32>
        %and3A_348 = arith.andi %ge3A_345, %lt3A_347 : vector<16xi1>
        %swap3A_349 = arith.index_cast %scan3A_256 : i32 to index
        %swap3A_350 = tpu.vector_load %arg8[%swap3A_349] masked %and3A_348 {strides = array<i32>} : memref<16192xi32, #tpu.memory_space<vmem>>, vector<16xi32>, vector<16xi1>
        tpu.vector_store %arg8[%swap3A_349], %get3A_343 masked %and3A_348 {strides = array<i32>} : memref<16192xi32, #tpu.memory_space<vmem>>, vector<16xi32>, vector<16xi1>
        %sub3A_351 = vector.broadcast %mul3A_2 : i32 to vector<16xi32>
        %sub3A_352 = arith.subi %get3A_337, %sub3A_351 : vector<16xi32>
        %swap3A_353 = arith.index_cast %scan3A_256 : i32 to index
        %swap3A_354 = tpu.vector_load %arg9[%swap3A_353] masked %and3A_348 {strides = array<i32>} : memref<16192xi32, #tpu.memory_space<vmem>>, vector<16xi32>, vector<16xi1>
        tpu.vector_store %arg9[%swap3A_353], %sub3A_352 masked %and3A_348 {strides = array<i32>} : memref<16192xi32, #tpu.memory_space<vmem>>, vector<16xi32>, vector<16xi1>
        %all_reduce_population_count3A_355 = tpu.all_reduce %and3A_348 {dim = 0 : i64, kind = #tpu.reduction_kind<sum>} : vector<16xi1> -> vector<16xi32>
        %slice3A_356 = vector.extract_strided_slice %all_reduce_population_count3A_355 {offsets = [0], sizes = [1], strides = [1]} : vector<16xi32> to vector<1xi32>
        %squeeze3A_357 = vector.extract %slice3A_356[0] : i32 from vector<1xi32>
        %add3A_358 = arith.addi %scan3A_256, %squeeze3A_357 : i32
        scf.yield %add3A_277, %add3A_304, %add3A_331, %add3A_358 : i32, i32, i32, i32
      }
      %scan3A_53 = arith.constant 250 : i32
      %sub3A = arith.constant 4016 : i32
      %sub3A_54 = arith.subi %scan3A_52#1, %sub3A : i32
      %add3A_55 = arith.constant 15 : i32
      %add3A_56 = arith.addi %sub3A_54, %add3A_55 : i32
      %jit3A = arith.constant 16 : i32
      %div3A = arith.divsi %add3A_56, %jit3A : i32
      %sign3A = arith.constant 0 : i32
      %sign3A_57 = arith.cmpi sgt, %add3A_56, %sign3A : i32
      %sign3A_58 = arith.extui %sign3A_57 : i1 to i32
      %sign3A_59 = arith.constant 0 : i32
      %sign3A_60 = arith.cmpi slt, %add3A_56, %sign3A_59 : i32
      %sign3A_61 = arith.extui %sign3A_60 : i1 to i32
      %sign3A_62 = arith.subi %sign3A_58, %sign3A_61 : i32
      %sign3A_63 = arith.constant 0 : i32
      %sign3A_64 = arith.cmpi sgt, %jit3A, %sign3A_63 : i32
      %sign3A_65 = arith.extui %sign3A_64 : i1 to i32
      %sign3A_66 = arith.constant 0 : i32
      %sign3A_67 = arith.cmpi slt, %jit3A, %sign3A_66 : i32
      %sign3A_68 = arith.extui %sign3A_67 : i1 to i32
      %sign3A_69 = arith.subi %sign3A_65, %sign3A_68 : i32
      %ne3A = arith.cmpi ne, %sign3A_62, %sign3A_69 : i32
      %rem3A = arith.remsi %add3A_56, %jit3A : i32
      %ne3A_70 = arith.constant 0 : i32
      %ne3A_71 = arith.cmpi ne, %rem3A, %ne3A_70 : i32
      %and3A = arith.andi %ne3A, %ne3A_71 : i1
      %sub3A_72 = arith.constant 1 : i32
      %sub3A_73 = arith.subi %div3A, %sub3A_72 : i32
      %select_n3A = arith.select %and3A, %sub3A_73, %div3A : i32
      %while3A = arith.constant 0 : i32
      %while3A_74 = arith.subi %select_n3A, %while3A : i32
      %while3A_75 = arith.addi %while3A, %while3A_74 : i32
      %while3A_76 = arith.constant 1 : i32
      %while3A_77 = arith.divsi %while3A_74, %while3A_76 : i32
      %while3A_78 = arith.muli %while3A_77, %while3A_76 : i32
      %while3A_79 = arith.addi %while3A, %while3A_78 : i32
      %while3A_80 = arith.constant 1 : i32
      %while3A_81 = scf.for %while3A_252 = %while3A to %while3A_79 step %while3A_80 iter_args(%while3A_253 = %scan3A_52#0) -> (i32)  : i32 {
        %mul3A_254 = arith.constant 16 : i32
        %mul3A_255 = arith.muli %while3A_252, %mul3A_254 : i32
        %add3A_256 = arith.constant 4016 : i32
        %add3A_257 = arith.addi %add3A_256, %mul3A_255 : i32
        %get3A = arith.index_cast %add3A_257 : i32 to index
        %get3A_258 = tpu.vector_load %arg8[%get3A] {strides = array<i32>} : memref<16192xi32, #tpu.memory_space<vmem>>, vector<16xi32>,
        %mul3A_259 = arith.constant 16 : i32
        %mul3A_260 = arith.muli %while3A_252, %mul3A_259 : i32
        %add3A_261 = arith.constant 4016 : i32
        %add3A_262 = arith.addi %add3A_261, %mul3A_260 : i32
        %get3A_263 = arith.index_cast %add3A_262 : i32 to index
        %get3A_264 = tpu.vector_load %arg9[%get3A_263] {strides = array<i32>} : memref<16192xi32, #tpu.memory_space<vmem>>, vector<16xi32>,
        %mul3A_265 = arith.constant 16 : i32
        %mul3A_266 = arith.muli %while3A_252, %mul3A_265 : i32
        %sub3A_267 = arith.subi %sub3A_54, %mul3A_266 : i32
        %lt3A_268 = vector.broadcast %sub3A_267 : i32 to vector<16xi32>
        %lt3A_269 = arith.cmpi slt, %iota3A, %lt3A_268 : vector<16xi32>
        %swap3A = arith.index_cast %while3A_253 : i32 to index
        %swap3A_270 = tpu.vector_load %arg8[%swap3A] masked %lt3A_269 {strides = array<i32>} : memref<16192xi32, #tpu.memory_space<vmem>>, vector<16xi32>, vector<16xi1>
        tpu.vector_store %arg8[%swap3A], %get3A_258 masked %lt3A_269 {strides = array<i32>} : memref<16192xi32, #tpu.memory_space<vmem>>, vector<16xi32>, vector<16xi1>
        %swap3A_271 = arith.index_cast %while3A_253 : i32 to index
        %swap3A_272 = tpu.vector_load %arg9[%swap3A_271] masked %lt3A_269 {strides = array<i32>} : memref<16192xi32, #tpu.memory_space<vmem>>, vector<16xi32>, vector<16xi1>
        tpu.vector_store %arg9[%swap3A_271], %get3A_264 masked %lt3A_269 {strides = array<i32>} : memref<16192xi32, #tpu.memory_space<vmem>>, vector<16xi32>, vector<16xi1>
        %mul3A_273 = arith.constant 16 : i32
        %mul3A_274 = arith.muli %while3A_252, %mul3A_273 : i32
        %sub3A_275 = arith.subi %sub3A_54, %mul3A_274 : i32
        %min3A = arith.constant 16 : i32
        %min3A_276 = arith.minsi %min3A, %sub3A_275 : i32
        %add3A_277 = arith.addi %while3A_253, %min3A_276 : i32
        scf.yield %add3A_277 : i32
      }
      %while3A_82 = arith.constant 1 : i32
      %while3A_83 = scf.for %while3A_252 = %while3A_79 to %while3A_75 step %while3A_82 iter_args(%while3A_253 = %while3A_81) -> (i32)  : i32 {
        %mul3A_254 = arith.constant 16 : i32
        %mul3A_255 = arith.muli %while3A_252, %mul3A_254 : i32
        %add3A_256 = arith.constant 4016 : i32
        %add3A_257 = arith.addi %add3A_256, %mul3A_255 : i32
        %get3A = arith.index_cast %add3A_257 : i32 to index
        %get3A_258 = tpu.vector_load %arg8[%get3A] {strides = array<i32>} : memref<16192xi32, #tpu.memory_space<vmem>>, vector<16xi32>,
        %mul3A_259 = arith.constant 16 : i32
        %mul3A_260 = arith.muli %while3A_252, %mul3A_259 : i32
        %add3A_261 = arith.constant 4016 : i32
        %add3A_262 = arith.addi %add3A_261, %mul3A_260 : i32
        %get3A_263 = arith.index_cast %add3A_262 : i32 to index
        %get3A_264 = tpu.vector_load %arg9[%get3A_263] {strides = array<i32>} : memref<16192xi32, #tpu.memory_space<vmem>>, vector<16xi32>,
        %mul3A_265 = arith.constant 16 : i32
        %mul3A_266 = arith.muli %while3A_252, %mul3A_265 : i32
        %sub3A_267 = arith.subi %sub3A_54, %mul3A_266 : i32
        %lt3A_268 = vector.broadcast %sub3A_267 : i32 to vector<16xi32>
        %lt3A_269 = arith.cmpi slt, %iota3A, %lt3A_268 : vector<16xi32>
        %swap3A = arith.index_cast %while3A_253 : i32 to index
        %swap3A_270 = tpu.vector_load %arg8[%swap3A] masked %lt3A_269 {strides = array<i32>} : memref<16192xi32, #tpu.memory_space<vmem>>, vector<16xi32>, vector<16xi1>
        tpu.vector_store %arg8[%swap3A], %get3A_258 masked %lt3A_269 {strides = array<i32>} : memref<16192xi32, #tpu.memory_space<vmem>>, vector<16xi32>, vector<16xi1>
        %swap3A_271 = arith.index_cast %while3A_253 : i32 to index
        %swap3A_272 = tpu.vector_load %arg9[%swap3A_271] masked %lt3A_269 {strides = array<i32>} : memref<16192xi32, #tpu.memory_space<vmem>>, vector<16xi32>, vector<16xi1>
        tpu.vector_store %arg9[%swap3A_271], %get3A_264 masked %lt3A_269 {strides = array<i32>} : memref<16192xi32, #tpu.memory_space<vmem>>, vector<16xi32>, vector<16xi1>
        %mul3A_273 = arith.constant 16 : i32
        %mul3A_274 = arith.muli %while3A_252, %mul3A_273 : i32
        %sub3A_275 = arith.subi %sub3A_54, %mul3A_274 : i32
        %min3A = arith.constant 16 : i32
        %min3A_276 = arith.minsi %min3A, %sub3A_275 : i32
        %add3A_277 = arith.addi %while3A_253, %min3A_276 : i32
        scf.yield %add3A_277 : i32
      }
      %sub3A_84 = arith.constant 8032 : i32
      %sub3A_85 = arith.subi %scan3A_52#2, %sub3A_84 : i32
      %add3A_86 = arith.constant 15 : i32
      %add3A_87 = arith.addi %sub3A_85, %add3A_86 : i32
      %jit3A_88 = arith.constant 16 : i32
      %div3A_89 = arith.divsi %add3A_87, %jit3A_88 : i32
      %sign3A_90 = arith.constant 0 : i32
      %sign3A_91 = arith.cmpi sgt, %add3A_87, %sign3A_90 : i32
      %sign3A_92 = arith.extui %sign3A_91 : i1 to i32
      %sign3A_93 = arith.constant 0 : i32
      %sign3A_94 = arith.cmpi slt, %add3A_87, %sign3A_93 : i32
      %sign3A_95 = arith.extui %sign3A_94 : i1 to i32
      %sign3A_96 = arith.subi %sign3A_92, %sign3A_95 : i32
      %sign3A_97 = arith.constant 0 : i32
      %sign3A_98 = arith.cmpi sgt, %jit3A_88, %sign3A_97 : i32
      %sign3A_99 = arith.extui %sign3A_98 : i1 to i32
      %sign3A_100 = arith.constant 0 : i32
      %sign3A_101 = arith.cmpi slt, %jit3A_88, %sign3A_100 : i32
      %sign3A_102 = arith.extui %sign3A_101 : i1 to i32
      %sign3A_103 = arith.subi %sign3A_99, %sign3A_102 : i32
      %ne3A_104 = arith.cmpi ne, %sign3A_96, %sign3A_103 : i32
      %rem3A_105 = arith.remsi %add3A_87, %jit3A_88 : i32
      %ne3A_106 = arith.constant 0 : i32
      %ne3A_107 = arith.cmpi ne, %rem3A_105, %ne3A_106 : i32
      %and3A_108 = arith.andi %ne3A_104, %ne3A_107 : i1
      %sub3A_109 = arith.constant 1 : i32
      %sub3A_110 = arith.subi %div3A_89, %sub3A_109 : i32
      %select_n3A_111 = arith.select %and3A_108, %sub3A_110, %div3A_89 : i32
      %while3A_112 = arith.constant 0 : i32
      %while3A_113 = arith.subi %select_n3A_111, %while3A_112 : i32
      %while3A_114 = arith.addi %while3A_112, %while3A_113 : i32
      %while3A_115 = arith.constant 1 : i32
      %while3A_116 = arith.divsi %while3A_113, %while3A_115 : i32
      %while3A_117 = arith.muli %while3A_116, %while3A_115 : i32
      %while3A_118 = arith.addi %while3A_112, %while3A_117 : i32
      %while3A_119 = arith.constant 1 : i32
      %while3A_120 = scf.for %while3A_252 = %while3A_112 to %while3A_118 step %while3A_119 iter_args(%while3A_253 = %while3A_83) -> (i32)  : i32 {
        %mul3A_254 = arith.constant 16 : i32
        %mul3A_255 = arith.muli %while3A_252, %mul3A_254 : i32
        %add3A_256 = arith.constant 8032 : i32
        %add3A_257 = arith.addi %add3A_256, %mul3A_255 : i32
        %get3A = arith.index_cast %add3A_257 : i32 to index
        %get3A_258 = tpu.vector_load %arg8[%get3A] {strides = array<i32>} : memref<16192xi32, #tpu.memory_space<vmem>>, vector<16xi32>,
        %mul3A_259 = arith.constant 16 : i32
        %mul3A_260 = arith.muli %while3A_252, %mul3A_259 : i32
        %add3A_261 = arith.constant 8032 : i32
        %add3A_262 = arith.addi %add3A_261, %mul3A_260 : i32
        %get3A_263 = arith.index_cast %add3A_262 : i32 to index
        %get3A_264 = tpu.vector_load %arg9[%get3A_263] {strides = array<i32>} : memref<16192xi32, #tpu.memory_space<vmem>>, vector<16xi32>,
        %mul3A_265 = arith.constant 16 : i32
        %mul3A_266 = arith.muli %while3A_252, %mul3A_265 : i32
        %sub3A_267 = arith.subi %sub3A_85, %mul3A_266 : i32
        %lt3A_268 = vector.broadcast %sub3A_267 : i32 to vector<16xi32>
        %lt3A_269 = arith.cmpi slt, %iota3A, %lt3A_268 : vector<16xi32>
        %swap3A = arith.index_cast %while3A_253 : i32 to index
        %swap3A_270 = tpu.vector_load %arg8[%swap3A] masked %lt3A_269 {strides = array<i32>} : memref<16192xi32, #tpu.memory_space<vmem>>, vector<16xi32>, vector<16xi1>
        tpu.vector_store %arg8[%swap3A], %get3A_258 masked %lt3A_269 {strides = array<i32>} : memref<16192xi32, #tpu.memory_space<vmem>>, vector<16xi32>, vector<16xi1>
        %swap3A_271 = arith.index_cast %while3A_253 : i32 to index
        %swap3A_272 = tpu.vector_load %arg9[%swap3A_271] masked %lt3A_269 {strides = array<i32>} : memref<16192xi32, #tpu.memory_space<vmem>>, vector<16xi32>, vector<16xi1>
        tpu.vector_store %arg9[%swap3A_271], %get3A_264 masked %lt3A_269 {strides = array<i32>} : memref<16192xi32, #tpu.memory_space<vmem>>, vector<16xi32>, vector<16xi1>
        %mul3A_273 = arith.constant 16 : i32
        %mul3A_274 = arith.muli %while3A_252, %mul3A_273 : i32
        %sub3A_275 = arith.subi %sub3A_85, %mul3A_274 : i32
        %min3A = arith.constant 16 : i32
        %min3A_276 = arith.minsi %min3A, %sub3A_275 : i32
        %add3A_277 = arith.addi %while3A_253, %min3A_276 : i32
        scf.yield %add3A_277 : i32
      }
      %while3A_121 = arith.constant 1 : i32
      %while3A_122 = scf.for %while3A_252 = %while3A_118 to %while3A_114 step %while3A_121 iter_args(%while3A_253 = %while3A_120) -> (i32)  : i32 {
        %mul3A_254 = arith.constant 16 : i32
        %mul3A_255 = arith.muli %while3A_252, %mul3A_254 : i32
        %add3A_256 = arith.constant 8032 : i32
        %add3A_257 = arith.addi %add3A_256, %mul3A_255 : i32
        %get3A = arith.index_cast %add3A_257 : i32 to index
        %get3A_258 = tpu.vector_load %arg8[%get3A] {strides = array<i32>} : memref<16192xi32, #tpu.memory_space<vmem>>, vector<16xi32>,
        %mul3A_259 = arith.constant 16 : i32
        %mul3A_260 = arith.muli %while3A_252, %mul3A_259 : i32
        %add3A_261 = arith.constant 8032 : i32
        %add3A_262 = arith.addi %add3A_261, %mul3A_260 : i32
        %get3A_263 = arith.index_cast %add3A_262 : i32 to index
        %get3A_264 = tpu.vector_load %arg9[%get3A_263] {strides = array<i32>} : memref<16192xi32, #tpu.memory_space<vmem>>, vector<16xi32>,
        %mul3A_265 = arith.constant 16 : i32
        %mul3A_266 = arith.muli %while3A_252, %mul3A_265 : i32
        %sub3A_267 = arith.subi %sub3A_85, %mul3A_266 : i32
        %lt3A_268 = vector.broadcast %sub3A_267 : i32 to vector<16xi32>
        %lt3A_269 = arith.cmpi slt, %iota3A, %lt3A_268 : vector<16xi32>
        %swap3A = arith.index_cast %while3A_253 : i32 to index
        %swap3A_270 = tpu.vector_load %arg8[%swap3A] masked %lt3A_269 {strides = array<i32>} : memref<16192xi32, #tpu.memory_space<vmem>>, vector<16xi32>, vector<16xi1>
        tpu.vector_store %arg8[%swap3A], %get3A_258 masked %lt3A_269 {strides = array<i32>} : memref<16192xi32, #tpu.memory_space<vmem>>, vector<16xi32>, vector<16xi1>
        %swap3A_271 = arith.index_cast %while3A_253 : i32 to index
        %swap3A_272 = tpu.vector_load %arg9[%swap3A_271] masked %lt3A_269 {strides = array<i32>} : memref<16192xi32, #tpu.memory_space<vmem>>, vector<16xi32>, vector<16xi1>
        tpu.vector_store %arg9[%swap3A_271], %get3A_264 masked %lt3A_269 {strides = array<i32>} : memref<16192xi32, #tpu.memory_space<vmem>>, vector<16xi32>, vector<16xi1>
        %mul3A_273 = arith.constant 16 : i32
        %mul3A_274 = arith.muli %while3A_252, %mul3A_273 : i32
        %sub3A_275 = arith.subi %sub3A_85, %mul3A_274 : i32
        %min3A = arith.constant 16 : i32
        %min3A_276 = arith.minsi %min3A, %sub3A_275 : i32
        %add3A_277 = arith.addi %while3A_253, %min3A_276 : i32
        scf.yield %add3A_277 : i32
      }
      %sub3A_123 = arith.constant 12048 : i32
      %sub3A_124 = arith.subi %scan3A_52#3, %sub3A_123 : i32
      %add3A_125 = arith.constant 15 : i32
      %add3A_126 = arith.addi %sub3A_124, %add3A_125 : i32
      %jit3A_127 = arith.constant 16 : i32
      %div3A_128 = arith.divsi %add3A_126, %jit3A_127 : i32
      %sign3A_129 = arith.constant 0 : i32
      %sign3A_130 = arith.cmpi sgt, %add3A_126, %sign3A_129 : i32
      %sign3A_131 = arith.extui %sign3A_130 : i1 to i32
      %sign3A_132 = arith.constant 0 : i32
      %sign3A_133 = arith.cmpi slt, %add3A_126, %sign3A_132 : i32
      %sign3A_134 = arith.extui %sign3A_133 : i1 to i32
      %sign3A_135 = arith.subi %sign3A_131, %sign3A_134 : i32
      %sign3A_136 = arith.constant 0 : i32
      %sign3A_137 = arith.cmpi sgt, %jit3A_127, %sign3A_136 : i32
      %sign3A_138 = arith.extui %sign3A_137 : i1 to i32
      %sign3A_139 = arith.constant 0 : i32
      %sign3A_140 = arith.cmpi slt, %jit3A_127, %sign3A_139 : i32
      %sign3A_141 = arith.extui %sign3A_140 : i1 to i32
      %sign3A_142 = arith.subi %sign3A_138, %sign3A_141 : i32
      %ne3A_143 = arith.cmpi ne, %sign3A_135, %sign3A_142 : i32
      %rem3A_144 = arith.remsi %add3A_126, %jit3A_127 : i32
      %ne3A_145 = arith.constant 0 : i32
      %ne3A_146 = arith.cmpi ne, %rem3A_144, %ne3A_145 : i32
      %and3A_147 = arith.andi %ne3A_143, %ne3A_146 : i1
      %sub3A_148 = arith.constant 1 : i32
      %sub3A_149 = arith.subi %div3A_128, %sub3A_148 : i32
      %select_n3A_150 = arith.select %and3A_147, %sub3A_149, %div3A_128 : i32
      %while3A_151 = arith.constant 0 : i32
      %while3A_152 = arith.subi %select_n3A_150, %while3A_151 : i32
      %while3A_153 = arith.addi %while3A_151, %while3A_152 : i32
      %while3A_154 = arith.constant 1 : i32
      %while3A_155 = arith.divsi %while3A_152, %while3A_154 : i32
      %while3A_156 = arith.muli %while3A_155, %while3A_154 : i32
      %while3A_157 = arith.addi %while3A_151, %while3A_156 : i32
      %while3A_158 = arith.constant 1 : i32
      %while3A_159 = scf.for %while3A_252 = %while3A_151 to %while3A_157 step %while3A_158 iter_args(%while3A_253 = %while3A_122) -> (i32)  : i32 {
        %mul3A_254 = arith.constant 16 : i32
        %mul3A_255 = arith.muli %while3A_252, %mul3A_254 : i32
        %add3A_256 = arith.constant 12048 : i32
        %add3A_257 = arith.addi %add3A_256, %mul3A_255 : i32
        %get3A = arith.index_cast %add3A_257 : i32 to index
        %get3A_258 = tpu.vector_load %arg8[%get3A] {strides = array<i32>} : memref<16192xi32, #tpu.memory_space<vmem>>, vector<16xi32>,
        %mul3A_259 = arith.constant 16 : i32
        %mul3A_260 = arith.muli %while3A_252, %mul3A_259 : i32
        %add3A_261 = arith.constant 12048 : i32
        %add3A_262 = arith.addi %add3A_261, %mul3A_260 : i32
        %get3A_263 = arith.index_cast %add3A_262 : i32 to index
        %get3A_264 = tpu.vector_load %arg9[%get3A_263] {strides = array<i32>} : memref<16192xi32, #tpu.memory_space<vmem>>, vector<16xi32>,
        %mul3A_265 = arith.constant 16 : i32
        %mul3A_266 = arith.muli %while3A_252, %mul3A_265 : i32
        %sub3A_267 = arith.subi %sub3A_124, %mul3A_266 : i32
        %lt3A_268 = vector.broadcast %sub3A_267 : i32 to vector<16xi32>
        %lt3A_269 = arith.cmpi slt, %iota3A, %lt3A_268 : vector<16xi32>
        %swap3A = arith.index_cast %while3A_253 : i32 to index
        %swap3A_270 = tpu.vector_load %arg8[%swap3A] masked %lt3A_269 {strides = array<i32>} : memref<16192xi32, #tpu.memory_space<vmem>>, vector<16xi32>, vector<16xi1>
        tpu.vector_store %arg8[%swap3A], %get3A_258 masked %lt3A_269 {strides = array<i32>} : memref<16192xi32, #tpu.memory_space<vmem>>, vector<16xi32>, vector<16xi1>
        %swap3A_271 = arith.index_cast %while3A_253 : i32 to index
        %swap3A_272 = tpu.vector_load %arg9[%swap3A_271] masked %lt3A_269 {strides = array<i32>} : memref<16192xi32, #tpu.memory_space<vmem>>, vector<16xi32>, vector<16xi1>
        tpu.vector_store %arg9[%swap3A_271], %get3A_264 masked %lt3A_269 {strides = array<i32>} : memref<16192xi32, #tpu.memory_space<vmem>>, vector<16xi32>, vector<16xi1>
        %mul3A_273 = arith.constant 16 : i32
        %mul3A_274 = arith.muli %while3A_252, %mul3A_273 : i32
        %sub3A_275 = arith.subi %sub3A_124, %mul3A_274 : i32
        %min3A = arith.constant 16 : i32
        %min3A_276 = arith.minsi %min3A, %sub3A_275 : i32
        %add3A_277 = arith.addi %while3A_253, %min3A_276 : i32
        scf.yield %add3A_277 : i32
      }
      %while3A_160 = arith.constant 1 : i32
      %while3A_161 = scf.for %while3A_252 = %while3A_157 to %while3A_153 step %while3A_160 iter_args(%while3A_253 = %while3A_159) -> (i32)  : i32 {
        %mul3A_254 = arith.constant 16 : i32
        %mul3A_255 = arith.muli %while3A_252, %mul3A_254 : i32
        %add3A_256 = arith.constant 12048 : i32
        %add3A_257 = arith.addi %add3A_256, %mul3A_255 : i32
        %get3A = arith.index_cast %add3A_257 : i32 to index
        %get3A_258 = tpu.vector_load %arg8[%get3A] {strides = array<i32>} : memref<16192xi32, #tpu.memory_space<vmem>>, vector<16xi32>,
        %mul3A_259 = arith.constant 16 : i32
        %mul3A_260 = arith.muli %while3A_252, %mul3A_259 : i32
        %add3A_261 = arith.constant 12048 : i32
        %add3A_262 = arith.addi %add3A_261, %mul3A_260 : i32
        %get3A_263 = arith.index_cast %add3A_262 : i32 to index
        %get3A_264 = tpu.vector_load %arg9[%get3A_263] {strides = array<i32>} : memref<16192xi32, #tpu.memory_space<vmem>>, vector<16xi32>,
        %mul3A_265 = arith.constant 16 : i32
        %mul3A_266 = arith.muli %while3A_252, %mul3A_265 : i32
        %sub3A_267 = arith.subi %sub3A_124, %mul3A_266 : i32
        %lt3A_268 = vector.broadcast %sub3A_267 : i32 to vector<16xi32>
        %lt3A_269 = arith.cmpi slt, %iota3A, %lt3A_268 : vector<16xi32>
        %swap3A = arith.index_cast %while3A_253 : i32 to index
        %swap3A_270 = tpu.vector_load %arg8[%swap3A] masked %lt3A_269 {strides = array<i32>} : memref<16192xi32, #tpu.memory_space<vmem>>, vector<16xi32>, vector<16xi1>
        tpu.vector_store %arg8[%swap3A], %get3A_258 masked %lt3A_269 {strides = array<i32>} : memref<16192xi32, #tpu.memory_space<vmem>>, vector<16xi32>, vector<16xi1>
        %swap3A_271 = arith.index_cast %while3A_253 : i32 to index
        %swap3A_272 = tpu.vector_load %arg9[%swap3A_271] masked %lt3A_269 {strides = array<i32>} : memref<16192xi32, #tpu.memory_space<vmem>>, vector<16xi32>, vector<16xi1>
        tpu.vector_store %arg9[%swap3A_271], %get3A_264 masked %lt3A_269 {strides = array<i32>} : memref<16192xi32, #tpu.memory_space<vmem>>, vector<16xi32>, vector<16xi1>
        %mul3A_273 = arith.constant 16 : i32
        %mul3A_274 = arith.muli %while3A_252, %mul3A_273 : i32
        %sub3A_275 = arith.subi %sub3A_124, %mul3A_274 : i32
        %min3A = arith.constant 16 : i32
        %min3A_276 = arith.minsi %min3A, %sub3A_275 : i32
        %add3A_277 = arith.addi %while3A_253, %min3A_276 : i32
        scf.yield %add3A_277 : i32
      }
      %add3A_162 = arith.constant 0 : i32
      %add3A_163 = arith.addi %while3A_161, %add3A_162 : i32
      %add3A_164 = vector.broadcast %add3A_163 : i32 to vector<16xi32>
      %add3A_165 = arith.addi %add3A_164, %iota3A : vector<16xi32>
      %add3A_166 = arith.constant 0 : i32
      %add3A_167 = vector.broadcast %add3A_166 : i32 to vector<16xi32>
      %add3A_168 = arith.addi %iota3A, %add3A_167 : vector<16xi32>
      tpu.vector_store_idx %arg8[%add3A_165], %add3A_168 : memref<16192xi32, #tpu.memory_space<vmem>>[vector<16xi32>], vector<16xi32>,
      %broadcast_in_dim3A_169 = arith.constant 320 : i32
      %broadcast_in_dim3A_170 = vector.broadcast %broadcast_in_dim3A_169 : i32 to vector<16xi32>
      tpu.vector_store_idx %arg9[%add3A_165], %broadcast_in_dim3A_170 : memref<16192xi32, #tpu.memory_space<vmem>>[vector<16xi32>], vector<16xi32>,
      %add3A_171 = arith.constant 16 : i32
      %add3A_172 = arith.addi %while3A_161, %add3A_171 : i32
      %add3A_173 = vector.broadcast %add3A_172 : i32 to vector<16xi32>
      %add3A_174 = arith.addi %add3A_173, %iota3A : vector<16xi32>
      %add3A_175 = arith.constant 16 : i32
      %add3A_176 = vector.broadcast %add3A_175 : i32 to vector<16xi32>
      %add3A_177 = arith.addi %iota3A, %add3A_176 : vector<16xi32>
      tpu.vector_store_idx %arg8[%add3A_174], %add3A_177 : memref<16192xi32, #tpu.memory_space<vmem>>[vector<16xi32>], vector<16xi32>,
      %broadcast_in_dim3A_178 = arith.constant 320 : i32
      %broadcast_in_dim3A_179 = vector.broadcast %broadcast_in_dim3A_178 : i32 to vector<16xi32>
      tpu.vector_store_idx %arg9[%add3A_174], %broadcast_in_dim3A_179 : memref<16192xi32, #tpu.memory_space<vmem>>[vector<16xi32>], vector<16xi32>,
      %add3A_180 = arith.constant 32 : i32
      %add3A_181 = arith.addi %while3A_161, %add3A_180 : i32
      %add3A_182 = vector.broadcast %add3A_181 : i32 to vector<16xi32>
      %add3A_183 = arith.addi %add3A_182, %iota3A : vector<16xi32>
      %add3A_184 = arith.constant 32 : i32
      %add3A_185 = vector.broadcast %add3A_184 : i32 to vector<16xi32>
      %add3A_186 = arith.addi %iota3A, %add3A_185 : vector<16xi32>
      tpu.vector_store_idx %arg8[%add3A_183], %add3A_186 : memref<16192xi32, #tpu.memory_space<vmem>>[vector<16xi32>], vector<16xi32>,
      %broadcast_in_dim3A_187 = arith.constant 320 : i32
      %broadcast_in_dim3A_188 = vector.broadcast %broadcast_in_dim3A_187 : i32 to vector<16xi32>
      tpu.vector_store_idx %arg9[%add3A_183], %broadcast_in_dim3A_188 : memref<16192xi32, #tpu.memory_space<vmem>>[vector<16xi32>], vector<16xi32>,
      %add3A_189 = arith.constant 48 : i32
      %add3A_190 = arith.addi %while3A_161, %add3A_189 : i32
      %add3A_191 = vector.broadcast %add3A_190 : i32 to vector<16xi32>
      %add3A_192 = arith.addi %add3A_191, %iota3A : vector<16xi32>
      %add3A_193 = arith.constant 48 : i32
      %add3A_194 = vector.broadcast %add3A_193 : i32 to vector<16xi32>
      %add3A_195 = arith.addi %iota3A, %add3A_194 : vector<16xi32>
      tpu.vector_store_idx %arg8[%add3A_192], %add3A_195 : memref<16192xi32, #tpu.memory_space<vmem>>[vector<16xi32>], vector<16xi32>,
      %broadcast_in_dim3A_196 = arith.constant 320 : i32
      %broadcast_in_dim3A_197 = vector.broadcast %broadcast_in_dim3A_196 : i32 to vector<16xi32>
      tpu.vector_store_idx %arg9[%add3A_192], %broadcast_in_dim3A_197 : memref<16192xi32, #tpu.memory_space<vmem>>[vector<16xi32>], vector<16xi32>,
      %add3A_198 = arith.constant 64 : i32
      %add3A_199 = arith.addi %while3A_161, %add3A_198 : i32
      %sub3A_200 = arith.constant 1 : i32
      %sub3A_201 = arith.subi %add3A_199, %sub3A_200 : i32
      %jit3A_202 = arith.constant 64 : i32
      %div3A_203 = arith.divsi %sub3A_201, %jit3A_202 : i32
      %sign3A_204 = arith.constant 0 : i32
      %sign3A_205 = arith.cmpi sgt, %sub3A_201, %sign3A_204 : i32
      %sign3A_206 = arith.extui %sign3A_205 : i1 to i32
      %sign3A_207 = arith.constant 0 : i32
      %sign3A_208 = arith.cmpi slt, %sub3A_201, %sign3A_207 : i32
      %sign3A_209 = arith.extui %sign3A_208 : i1 to i32
      %sign3A_210 = arith.subi %sign3A_206, %sign3A_209 : i32
      %sign3A_211 = arith.constant 0 : i32
      %sign3A_212 = arith.cmpi sgt, %jit3A_202, %sign3A_211 : i32
      %sign3A_213 = arith.extui %sign3A_212 : i1 to i32
      %sign3A_214 = arith.constant 0 : i32
      %sign3A_215 = arith.cmpi slt, %jit3A_202, %sign3A_214 : i32
      %sign3A_216 = arith.extui %sign3A_215 : i1 to i32
      %sign3A_217 = arith.subi %sign3A_213, %sign3A_216 : i32
      %ne3A_218 = arith.cmpi ne, %sign3A_210, %sign3A_217 : i32
      %rem3A_219 = arith.remsi %sub3A_201, %jit3A_202 : i32
      %ne3A_220 = arith.constant 0 : i32
      %ne3A_221 = arith.cmpi ne, %rem3A_219, %ne3A_220 : i32
      %and3A_222 = arith.andi %ne3A_218, %ne3A_221 : i1
      %sub3A_223 = arith.constant 1 : i32
      %sub3A_224 = arith.subi %div3A_203, %sub3A_223 : i32
      %select_n3A_225 = arith.select %and3A_222, %sub3A_224, %div3A_203 : i32
      %add3A_226 = arith.constant 1 : i32
      %add3A_227 = arith.addi %scan3A_35, %add3A_226 : i32
      %lt3A = arith.constant 20 : i32
      %lt3A_228 = arith.cmpi slt, %add3A_227, %lt3A : i32
      %convert_element_type3A = arith.extui %lt3A_228 : i1 to i32
      %cond3A = arith.constant 0 : i32
      %cond3A_229 = arith.cmpi ne, %convert_element_type3A, %cond3A : i32
      scf.if %cond3A_229 {
        %add3A_252 = arith.constant 1 : i32
        %add3A_253 = arith.addi %scan3A_35, %add3A_252 : i32
        %mul3A_254 = arith.constant 16000 : i32
        %mul3A_255 = arith.muli %add3A_253, %mul3A_254 : i32
        %dma_start3A_256 = tpu.memref_slice %arg2[%mul3A_255] : memref<320000xi32, #tpu.memory_space<hbm>> -> memref<16000xi32, #tpu.memory_space<hbm>>
        %dma_start3A_257 = tpu.memref_slice %arg2[%mul3A_255] : memref<320000xi32, #tpu.memory_space<hbm>> -> memref<16000xi32, #tpu.memory_space<hbm>>
        tpu.enqueue_dma source(%dma_start3A_257 : memref<16000xi32, #tpu.memory_space<hbm>>) target(%arg6 : memref<16000xi32, #tpu.memory_space<vmem>>) target_semaphore(%arg15 : memref<!tpu.dma_semaphore, #tpu.memory_space<semaphore_mem>>)
        %dma_start3A_258 = tpu.memref_slice %arg3[%mul3A_255] : memref<320000xi32, #tpu.memory_space<hbm>> -> memref<16000xi32, #tpu.memory_space<hbm>>
        %dma_start3A_259 = tpu.memref_slice %arg3[%mul3A_255] : memref<320000xi32, #tpu.memory_space<hbm>> -> memref<16000xi32, #tpu.memory_space<hbm>>
        tpu.enqueue_dma source(%dma_start3A_259 : memref<16000xi32, #tpu.memory_space<hbm>>) target(%arg7 : memref<16000xi32, #tpu.memory_space<vmem>>) target_semaphore(%arg15 : memref<!tpu.dma_semaphore, #tpu.memory_space<semaphore_mem>>)
      } else {
      }
      %gt3A = arith.constant 0 : i32
      %gt3A_230 = arith.cmpi sgt, %select_n3A_225, %gt3A : i32
      %convert_element_type3A_231 = arith.extui %gt3A_230 : i1 to i32
      %cond3A_232 = arith.constant 0 : i32
      %cond3A_233 = arith.cmpi ne, %convert_element_type3A_231, %cond3A_232 : i32
      scf.if %cond3A_233 {
        %dma_start3A_252 = arith.constant 0 : i32
        %dma_start3A_253 = tpu.memref_slice %arg8[%dma_start3A_252] : memref<16192xi32, #tpu.memory_space<vmem>> -> memref<32xi32, #tpu.memory_space<vmem>>
        %dma_start3A_254 = arith.constant 0 : i32
        %dma_start3A_255 = arith.constant 0 : i32
        %dma_start3A_256 = tpu.memref_slice %arg4[%dma_start3A_254, %dma_start3A_255] : memref<10000x128xi32, #tpu.memory_space<hbm>> -> memref<10000x128xi32, #tpu.memory_space<hbm>>
        tpu.enqueue_indirect_dma source(%dma_start3A_256 : memref<10000x128xi32, #tpu.memory_space<hbm>>) target(%arg10 : memref<32x128xi32, #tpu.memory_space<vmem>>) offsets(%dma_start3A_253 : memref<32xi32, #tpu.memory_space<vmem>>) semaphore(%arg13 : memref<!tpu.dma_semaphore, #tpu.memory_space<semaphore_mem>>)
      } else {
      }
      %while3A_234 = arith.constant 0 : i32
      %while3A_235 = arith.constant 0 : i32
      %while3A_236 = arith.subi %select_n3A_225, %while3A_234 : i32
      %while3A_237 = arith.addi %while3A_234, %while3A_236 : i32
      %while3A_238 = arith.constant 1 : i32
      %while3A_239 = arith.divsi %while3A_236, %while3A_238 : i32
      %while3A_240 = arith.muli %while3A_239, %while3A_238 : i32
      %while3A_241 = arith.addi %while3A_234, %while3A_240 : i32
      %while3A_242 = arith.constant 1 : i32
      %while3A_243 = scf.for %while3A_252 = %while3A_234 to %while3A_241 step %while3A_242 iter_args(%while3A_253 = %while3A_235) -> (i32)  : i32 {
        %mul3A_254 = arith.constant 2 : i32
        %mul3A_255 = arith.muli %mul3A_254, %while3A_252 : i32
        %add3A_256 = arith.constant 1 : i32
        %add3A_257 = arith.addi %mul3A_255, %add3A_256 : i32
        %mul3A_258 = arith.constant 32 : i32
        %mul3A_259 = arith.muli %add3A_257, %mul3A_258 : i32
        %dma_start3A_260 = tpu.memref_slice %arg8[%mul3A_259] : memref<16192xi32, #tpu.memory_space<vmem>> -> memref<32xi32, #tpu.memory_space<vmem>>
        %dma_start3A_261 = arith.constant 0 : i32
        %dma_start3A_262 = arith.constant 0 : i32
        %dma_start3A_263 = tpu.memref_slice %arg4[%dma_start3A_261, %dma_start3A_262] : memref<10000x128xi32, #tpu.memory_space<hbm>> -> memref<10000x128xi32, #tpu.memory_space<hbm>>
        tpu.enqueue_indirect_dma source(%dma_start3A_263 : memref<10000x128xi32, #tpu.memory_space<hbm>>) target(%arg11 : memref<32x128xi32, #tpu.memory_space<vmem>>) offsets(%dma_start3A_260 : memref<32xi32, #tpu.memory_space<vmem>>) semaphore(%arg14 : memref<!tpu.dma_semaphore, #tpu.memory_space<semaphore_mem>>)
        %dma_wait3A_264 = arith.constant 0 : i32
        %dma_wait3A_265 = arith.constant 0 : i32
        %dma_wait3A_266 = tpu.memref_slice %arg4[%dma_wait3A_264, %dma_wait3A_265] : memref<10000x128xi32, #tpu.memory_space<hbm>> -> memref<32x128xi32, #tpu.memory_space<hbm>>
        %dma_wait3A_267 = arith.constant 0 : i32
        %dma_wait3A_268 = arith.constant 0 : i32
        %dma_wait3A_269 = tpu.memref_slice %arg4[%dma_wait3A_267, %dma_wait3A_268] : memref<10000x128xi32, #tpu.memory_space<hbm>> -> memref<32x128xi32, #tpu.memory_space<hbm>>
        tpu.wait_dma2 semaphore(%arg13 : memref<!tpu.dma_semaphore, #tpu.memory_space<semaphore_mem>>) src(%dma_wait3A_269 : memref<32x128xi32, #tpu.memory_space<hbm>>) dst(%arg10 : memref<32x128xi32, #tpu.memory_space<vmem>>)
        %mul3A_270 = arith.constant 2 : i32
        %mul3A_271 = arith.muli %mul3A_270, %while3A_252 : i32
        %mul3A_272 = arith.constant 32 : i32
        %mul3A_273 = arith.muli %mul3A_271, %mul3A_272 : i32
        %mul3A_274 = arith.constant 2 : i32
        %mul3A_275 = arith.muli %mul3A_274, %while3A_252 : i32
        %add3A_276 = arith.constant 2 : i32
        %add3A_277 = arith.addi %mul3A_275, %add3A_276 : i32
        %mul3A_278 = arith.constant 32 : i32
        %mul3A_279 = arith.muli %add3A_277, %mul3A_278 : i32
        %dma_start3A_280 = tpu.memref_slice %arg8[%mul3A_279] : memref<16192xi32, #tpu.memory_space<vmem>> -> memref<32xi32, #tpu.memory_space<vmem>>
        %dma_start3A_281 = arith.constant 0 : i32
        %dma_start3A_282 = arith.constant 0 : i32
        %dma_start3A_283 = tpu.memref_slice %arg4[%dma_start3A_281, %dma_start3A_282] : memref<10000x128xi32, #tpu.memory_space<hbm>> -> memref<10000x128xi32, #tpu.memory_space<hbm>>
        tpu.enqueue_indirect_dma source(%dma_start3A_283 : memref<10000x128xi32, #tpu.memory_space<hbm>>) target(%arg10 : memref<32x128xi32, #tpu.memory_space<vmem>>) offsets(%dma_start3A_280 : memref<32xi32, #tpu.memory_space<vmem>>) semaphore(%arg13 : memref<!tpu.dma_semaphore, #tpu.memory_space<semaphore_mem>>)
        %dma_wait3A_284 = arith.constant 0 : i32
        %dma_wait3A_285 = arith.constant 0 : i32
        %dma_wait3A_286 = tpu.memref_slice %arg4[%dma_wait3A_284, %dma_wait3A_285] : memref<10000x128xi32, #tpu.memory_space<hbm>> -> memref<32x128xi32, #tpu.memory_space<hbm>>
        %dma_wait3A_287 = arith.constant 0 : i32
        %dma_wait3A_288 = arith.constant 0 : i32
        %dma_wait3A_289 = tpu.memref_slice %arg4[%dma_wait3A_287, %dma_wait3A_288] : memref<10000x128xi32, #tpu.memory_space<hbm>> -> memref<32x128xi32, #tpu.memory_space<hbm>>
        tpu.wait_dma2 semaphore(%arg14 : memref<!tpu.dma_semaphore, #tpu.memory_space<semaphore_mem>>) src(%dma_wait3A_289 : memref<32x128xi32, #tpu.memory_space<hbm>>) dst(%arg11 : memref<32x128xi32, #tpu.memory_space<vmem>>)
        %mul3A_290 = arith.constant 2 : i32
        %mul3A_291 = arith.muli %mul3A_290, %while3A_252 : i32
        %add3A_292 = arith.constant 1 : i32
        %add3A_293 = arith.addi %mul3A_291, %add3A_292 : i32
        %mul3A_294 = arith.constant 32 : i32
        %mul3A_295 = arith.muli %add3A_293, %mul3A_294 : i32
        %while3A_296 = arith.constant 0 : i32
        scf.yield %while3A_296 : i32
      }
      %while3A_244 = arith.constant 1 : i32
      %while3A_245 = scf.for %while3A_252 = %while3A_241 to %while3A_237 step %while3A_244 iter_args(%while3A_253 = %while3A_243) -> (i32)  : i32 {
        %mul3A_254 = arith.constant 2 : i32
        %mul3A_255 = arith.muli %mul3A_254, %while3A_252 : i32
        %add3A_256 = arith.constant 1 : i32
        %add3A_257 = arith.addi %mul3A_255, %add3A_256 : i32
        %mul3A_258 = arith.constant 32 : i32
        %mul3A_259 = arith.muli %add3A_257, %mul3A_258 : i32
        %dma_start3A_260 = tpu.memref_slice %arg8[%mul3A_259] : memref<16192xi32, #tpu.memory_space<vmem>> -> memref<32xi32, #tpu.memory_space<vmem>>
        %dma_start3A_261 = arith.constant 0 : i32
        %dma_start3A_262 = arith.constant 0 : i32
        %dma_start3A_263 = tpu.memref_slice %arg4[%dma_start3A_261, %dma_start3A_262] : memref<10000x128xi32, #tpu.memory_space<hbm>> -> memref<10000x128xi32, #tpu.memory_space<hbm>>
        tpu.enqueue_indirect_dma source(%dma_start3A_263 : memref<10000x128xi32, #tpu.memory_space<hbm>>) target(%arg11 : memref<32x128xi32, #tpu.memory_space<vmem>>) offsets(%dma_start3A_260 : memref<32xi32, #tpu.memory_space<vmem>>) semaphore(%arg14 : memref<!tpu.dma_semaphore, #tpu.memory_space<semaphore_mem>>)
        %dma_wait3A_264 = arith.constant 0 : i32
        %dma_wait3A_265 = arith.constant 0 : i32
        %dma_wait3A_266 = tpu.memref_slice %arg4[%dma_wait3A_264, %dma_wait3A_265] : memref<10000x128xi32, #tpu.memory_space<hbm>> -> memref<32x128xi32, #tpu.memory_space<hbm>>
        %dma_wait3A_267 = arith.constant 0 : i32
        %dma_wait3A_268 = arith.constant 0 : i32
        %dma_wait3A_269 = tpu.memref_slice %arg4[%dma_wait3A_267, %dma_wait3A_268] : memref<10000x128xi32, #tpu.memory_space<hbm>> -> memref<32x128xi32, #tpu.memory_space<hbm>>
        tpu.wait_dma2 semaphore(%arg13 : memref<!tpu.dma_semaphore, #tpu.memory_space<semaphore_mem>>) src(%dma_wait3A_269 : memref<32x128xi32, #tpu.memory_space<hbm>>) dst(%arg10 : memref<32x128xi32, #tpu.memory_space<vmem>>)
        %mul3A_270 = arith.constant 2 : i32
        %mul3A_271 = arith.muli %mul3A_270, %while3A_252 : i32
        %mul3A_272 = arith.constant 32 : i32
        %mul3A_273 = arith.muli %mul3A_271, %mul3A_272 : i32
        %mul3A_274 = arith.constant 2 : i32
        %mul3A_275 = arith.muli %mul3A_274, %while3A_252 : i32
        %add3A_276 = arith.constant 2 : i32
        %add3A_277 = arith.addi %mul3A_275, %add3A_276 : i32
        %mul3A_278 = arith.constant 32 : i32
        %mul3A_279 = arith.muli %add3A_277, %mul3A_278 : i32
        %dma_start3A_280 = tpu.memref_slice %arg8[%mul3A_279] : memref<16192xi32, #tpu.memory_space<vmem>> -> memref<32xi32, #tpu.memory_space<vmem>>
        %dma_start3A_281 = arith.constant 0 : i32
        %dma_start3A_282 = arith.constant 0 : i32
        %dma_start3A_283 = tpu.memref_slice %arg4[%dma_start3A_281, %dma_start3A_282] : memref<10000x128xi32, #tpu.memory_space<hbm>> -> memref<10000x128xi32, #tpu.memory_space<hbm>>
        tpu.enqueue_indirect_dma source(%dma_start3A_283 : memref<10000x128xi32, #tpu.memory_space<hbm>>) target(%arg10 : memref<32x128xi32, #tpu.memory_space<vmem>>) offsets(%dma_start3A_280 : memref<32xi32, #tpu.memory_space<vmem>>) semaphore(%arg13 : memref<!tpu.dma_semaphore, #tpu.memory_space<semaphore_mem>>)
        %dma_wait3A_284 = arith.constant 0 : i32
        %dma_wait3A_285 = arith.constant 0 : i32
        %dma_wait3A_286 = tpu.memref_slice %arg4[%dma_wait3A_284, %dma_wait3A_285] : memref<10000x128xi32, #tpu.memory_space<hbm>> -> memref<32x128xi32, #tpu.memory_space<hbm>>
        %dma_wait3A_287 = arith.constant 0 : i32
        %dma_wait3A_288 = arith.constant 0 : i32
        %dma_wait3A_289 = tpu.memref_slice %arg4[%dma_wait3A_287, %dma_wait3A_288] : memref<10000x128xi32, #tpu.memory_space<hbm>> -> memref<32x128xi32, #tpu.memory_space<hbm>>
        tpu.wait_dma2 semaphore(%arg14 : memref<!tpu.dma_semaphore, #tpu.memory_space<semaphore_mem>>) src(%dma_wait3A_289 : memref<32x128xi32, #tpu.memory_space<hbm>>) dst(%arg11 : memref<32x128xi32, #tpu.memory_space<vmem>>)
        %mul3A_290 = arith.constant 2 : i32
        %mul3A_291 = arith.muli %mul3A_290, %while3A_252 : i32
        %add3A_292 = arith.constant 1 : i32
        %add3A_293 = arith.addi %mul3A_291, %add3A_292 : i32
        %mul3A_294 = arith.constant 32 : i32
        %mul3A_295 = arith.muli %add3A_293, %mul3A_294 : i32
        %while3A_296 = arith.constant 0 : i32
        scf.yield %while3A_296 : i32
      }
      %gt3A_246 = arith.constant 0 : i32
      %gt3A_247 = arith.cmpi sgt, %select_n3A_225, %gt3A_246 : i32
      %convert_element_type3A_248 = arith.extui %gt3A_247 : i1 to i32
      %cond3A_249 = arith.constant 0 : i32
      %cond3A_250 = arith.cmpi ne, %convert_element_type3A_248, %cond3A_249 : i32
      scf.if %cond3A_250 {
        %dma_wait3A_252 = arith.constant 0 : i32
        %dma_wait3A_253 = arith.constant 0 : i32
        %dma_wait3A_254 = tpu.memref_slice %arg4[%dma_wait3A_252, %dma_wait3A_253] : memref<10000x128xi32, #tpu.memory_space<hbm>> -> memref<32x128xi32, #tpu.memory_space<hbm>>
        %dma_wait3A_255 = arith.constant 0 : i32
        %dma_wait3A_256 = arith.constant 0 : i32
        %dma_wait3A_257 = tpu.memref_slice %arg4[%dma_wait3A_255, %dma_wait3A_256] : memref<10000x128xi32, #tpu.memory_space<hbm>> -> memref<32x128xi32, #tpu.memory_space<hbm>>
        tpu.wait_dma2 semaphore(%arg13 : memref<!tpu.dma_semaphore, #tpu.memory_space<semaphore_mem>>) src(%dma_wait3A_257 : memref<32x128xi32, #tpu.memory_space<hbm>>) dst(%arg10 : memref<32x128xi32, #tpu.memory_space<vmem>>)
      } else {
      }
      %scan3A_251 = arith.constant 0 : i32
      scf.yield %scan3A_251 : i32
    }
    %scan3A_34 = arith.constant 20 : i32
    "tpu.region"() ({
      %run_scoped3A = tpu.sem_alloc : memref<!tpu.dma_semaphore, #tpu.memory_space<semaphore_mem>>
      %dma_start3A_35 = arith.constant 0 : i32
      %dma_start3A_36 = arith.constant 0 : i32
      %dma_start3A_37 = tpu.memref_slice %arg12[%dma_start3A_35, %dma_start3A_36] : memref<321x64xi32, #tpu.memory_space<vmem>> -> memref<320x64xi32, #tpu.memory_space<vmem>>
      %dma_start3A_38 = arith.constant 0 : i32
      %dma_start3A_39 = tpu.memref_slice %arg5[%mul3A_2, %dma_start3A_38] : memref<10240x64xi32, #tpu.memory_space<hbm>> -> memref<320x64xi32, #tpu.memory_space<hbm>>
      %dma_start3A_40 = arith.constant 0 : i32
      %dma_start3A_41 = tpu.memref_slice %arg5[%mul3A_2, %dma_start3A_40] : memref<10240x64xi32, #tpu.memory_space<hbm>> -> memref<320x64xi32, #tpu.memory_space<hbm>>
      %dma_start3A_42 = arith.constant 0 : i32
      %dma_start3A_43 = arith.constant 0 : i32
      %dma_start3A_44 = tpu.memref_slice %arg12[%dma_start3A_42, %dma_start3A_43] : memref<321x64xi32, #tpu.memory_space<vmem>> -> memref<320x64xi32, #tpu.memory_space<vmem>>
      tpu.enqueue_dma source(%dma_start3A_44 : memref<320x64xi32, #tpu.memory_space<vmem>>) target(%dma_start3A_41 : memref<320x64xi32, #tpu.memory_space<hbm>>) target_semaphore(%run_scoped3A : memref<!tpu.dma_semaphore, #tpu.memory_space<semaphore_mem>>)
      %dma_wait3A = arith.constant 0 : i32
      %dma_wait3A_45 = arith.constant 0 : i32
      %dma_wait3A_46 = tpu.memref_slice %arg12[%dma_wait3A, %dma_wait3A_45] : memref<321x64xi32, #tpu.memory_space<vmem>> -> memref<320x64xi32, #tpu.memory_space<vmem>>
      %dma_wait3A_47 = arith.constant 0 : i32
      %dma_wait3A_48 = tpu.memref_slice %arg5[%mul3A_2, %dma_wait3A_47] : memref<10240x64xi32, #tpu.memory_space<hbm>> -> memref<320x64xi32, #tpu.memory_space<hbm>>
      %dma_wait3A_49 = arith.constant 0 : i32
      %dma_wait3A_50 = tpu.memref_slice %arg5[%mul3A_2, %dma_wait3A_49] : memref<10240x64xi32, #tpu.memory_space<hbm>> -> memref<320x64xi32, #tpu.memory_space<hbm>>
      %dma_wait3A_51 = arith.constant 0 : i32
      %dma_wait3A_52 = arith.constant 0 : i32
      %dma_wait3A_53 = tpu.memref_slice %arg12[%dma_wait3A_51, %dma_wait3A_52] : memref<321x64xi32, #tpu.memory_space<vmem>> -> memref<320x64xi32, #tpu.memory_space<vmem>>
      tpu.wait_dma2 semaphore(%run_scoped3A : memref<!tpu.dma_semaphore, #tpu.memory_space<semaphore_mem>>) src(%dma_wait3A_53 : memref<320x64xi32, #tpu.memory_space<vmem>>) dst(%dma_wait3A_50 : memref<320x64xi32, #tpu.memory_space<hbm>>)
      tpu.yield
    }) : () -> ()
    return
  }
}

module attributes {stable_mosaic.version = 14 : i64} {
  func.func @_dense_body(%arg0: i32, %arg1: memref<1000x128xf32, #tpu.memory_space<vmem>>, %arg2: memref<1000x128xbf16, #tpu.memory_space<vmem>>, %arg3: memref<256x128xf32, #tpu.memory_space<vmem>>, %arg4: memref<1x128xf32, #tpu.memory_space<vmem>>, %arg5: memref<1000x128xf32, #tpu.memory_space<vmem>>) attributes {dimension_semantics = [#tpu.dimension_semantics<arbitrary>], iteration_bounds = array<i64: 10>, scalar_prefetch = 0 : i64, scratch_operands = 0 : i64, tpu.core_type = #tpu.core_type<tc>, window_params = [{transform_indices = @transform_0, window_bounds = array<i64: 1000, 128>}, {transform_indices = @transform_1, window_bounds = array<i64: 1000, 128>}, {pipeline_mode = #tpu.pipeline_mode<synchronous>, transform_indices = @transform_2, window_bounds = array<i64: 256, 128>}, {pipeline_mode = #tpu.pipeline_mode<synchronous>, transform_indices = @transform_3, window_bounds = array<i64: 1, 128>}, {transform_indices = @transform_4, window_bounds = array<i64: 1000, 128>}]} {
    %get3A = arith.constant 0 : index
    %get3A_0 = arith.constant 0 : index
    %get3A_1 = vector.load %arg1[%get3A, %get3A_0] : memref<1000x128xf32, #tpu.memory_space<vmem>>, vector<1000x128xf32>
    %get3A_2 = arith.constant 0 : index
    %get3A_3 = arith.constant 0 : index
    %get3A_4 = vector.load %arg2[%get3A_2, %get3A_3] : memref<1000x128xbf16, #tpu.memory_space<vmem>>, vector<1000x128xbf16>
    %convert_element_type3A = arith.extf %get3A_4 : vector<1000x128xbf16> to vector<1000x128xf32>
    %lt3A = arith.constant 0x7F800000 : f32
    %lt3A_5 = vector.broadcast %lt3A : f32 to vector<1000x128xf32>
    %lt3A_6 = arith.cmpf olt, %convert_element_type3A, %lt3A_5 : vector<1000x128xf32>
    %sub3A = arith.subf %get3A_1, %convert_element_type3A : vector<1000x128xf32>
    %jit3A = arith.constant 0.000000e+00 : f32
    %broadcast_in_dim3A = vector.broadcast %jit3A : f32 to vector<1000x128xf32>
    %select_n3A = arith.select %lt3A_6, %sub3A, %broadcast_in_dim3A : vector<1000x128xi1>, vector<1000x128xf32>
    %get3A_7 = arith.constant 0 : index
    %get3A_8 = arith.constant 0 : index
    %get3A_9 = vector.load %arg3[%get3A_7, %get3A_8] : memref<256x128xf32, #tpu.memory_space<vmem>>, vector<128x128xf32>
    %dot_general3A = arith.constant dense<0.000000e+00> : vector<1000x128xf32>
    %dot_general3A_10 = tpu.matmul %get3A_1, %get3A_9, %dot_general3A {dimension_numbers = #tpu.dot_dimension_numbers<[1], [0], [0], [1], [0, 0, 1, 1], [], []>, transpose_lhs_hint = false} : vector<1000x128xf32>, vector<128x128xf32>, vector<1000x128xf32> -> vector<1000x128xf32>
    %get3A_11 = arith.constant 128 : index
    %get3A_12 = arith.constant 0 : index
    %get3A_13 = vector.load %arg3[%get3A_11, %get3A_12] : memref<256x128xf32, #tpu.memory_space<vmem>>, vector<128x128xf32>
    %dot_general3A_14 = arith.constant dense<0.000000e+00> : vector<1000x128xf32>
    %dot_general3A_15 = tpu.matmul %select_n3A, %get3A_13, %dot_general3A_14 {dimension_numbers = #tpu.dot_dimension_numbers<[1], [0], [0], [1], [0, 0, 1, 1], [], []>, transpose_lhs_hint = false} : vector<1000x128xf32>, vector<128x128xf32>, vector<1000x128xf32> -> vector<1000x128xf32>
    %add3A = arith.addf %dot_general3A_10, %dot_general3A_15 : vector<1000x128xf32>
    %get3A_16 = arith.constant 0 : index
    %get3A_17 = arith.constant 0 : index
    %get3A_18 = vector.load %arg4[%get3A_16, %get3A_17] : memref<1x128xf32, #tpu.memory_space<vmem>>, vector<1x128xf32>
    %add3A_19 = vector.broadcast %get3A_18 : vector<1x128xf32> to vector<1000x128xf32>
    %add3A_20 = arith.addf %add3A, %add3A_19 : vector<1000x128xf32>
    %max3A = arith.constant 0.000000e+00 : f32
    %max3A_21 = vector.broadcast %max3A : f32 to vector<1000x128xf32>
    %max3A_22 = arith.maximumf %add3A_20, %max3A_21 : vector<1000x128xf32>
    %swap3A = arith.constant 0 : index
    %swap3A_23 = arith.constant 0 : index
    %swap3A_24 = vector.load %arg5[%swap3A, %swap3A_23] : memref<1000x128xf32, #tpu.memory_space<vmem>>, vector<1000x128xf32>
    tpu.vector_store %arg5[%swap3A, %swap3A_23], %max3A_22 {strides = array<i32>} : memref<1000x128xf32, #tpu.memory_space<vmem>>, vector<1000x128xf32>,
    return
  }
  func.func @transform_0(%arg0: i32) -> (i32, i32) {
    %c0_i32 = arith.constant 0 : i32
    %c0_i32_0 = arith.constant 0 : i32
    return %arg0, %c0_i32 : i32, i32
  }
  func.func @transform_1(%arg0: i32) -> (i32, i32) {
    %c0_i32 = arith.constant 0 : i32
    %c0_i32_0 = arith.constant 0 : i32
    return %arg0, %c0_i32 : i32, i32
  }
  func.func @transform_2(%arg0: i32) -> (i32, i32) {
    %c0_i32 = arith.constant 0 : i32
    %c0_i32_0 = arith.constant 0 : i32
    %c0_i32_1 = arith.constant 0 : i32
    return %c0_i32, %c0_i32_0 : i32, i32
  }
  func.func @transform_3(%arg0: i32) -> (i32, i32) {
    %c0_i32 = arith.constant 0 : i32
    %c0_i32_0 = arith.constant 0 : i32
    %c0_i32_1 = arith.constant 0 : i32
    return %c0_i32, %c0_i32_0 : i32, i32
  }
  func.func @transform_4(%arg0: i32) -> (i32, i32) {
    %c0_i32 = arith.constant 0 : i32
    %c0_i32_0 = arith.constant 0 : i32
    return %arg0, %c0_i32 : i32, i32
  }
}

</mosaic_0001>

<sc_bundles>
// kernel: kernel.4.cloned.1.call-start
scs
__scs_entry_jumppad:
0x0: {  	(pc) =	sbr.rel $0x88, $3  }
0x1: {  	(tag) =	ssettag $0x0;
	lr =	simm.s32 $0x1  }
0x2: {  	[smem:$0x3F9D] =	sst lr;
	_ =	strace $0xD0000000  }
0x3: {  	_ = 	snop  }
0x4: {  	_ = 	snop  }
0x5: {  	_ = 	snop  }
0x6: {  	_ = 	snop  }
0x7: {  	_ = 	snop  }
__scs_overlays_trampoline_lowered:
0x8: {  	[smem:$0x3FAC] =	sst s0  }
0x9: {  	[smem:$0x3FAD] =	sst s1  }
0xa: {  	[smem:$0x3FAE] =	sst s2  }
0xb: {  	[smem:$0x3FAF] =	sst s3  }
0xc: {  	[smem:$0x3FB0] =	sst s4  }
0xd: {  	[smem:$0x3FB1] =	sst s5  }
0xe: {  	[smem:$0x3FB2] =	sst s6  }
0xf: {  	[smem:$0x3FB3] =	sst s7  }
0x10: {  	[smem:$0x3FB4] =	sst s8  }
0x11: {  	[smem:$0x3FB5] =	sst s9;
	s0 =	simm.s32 @!p0 $0x0  }
0x12: {  	s1 =	sld [smem:$0x3F9B];
	s0 =	simm.s32 @p0 $0x1  }
0x13: {  	[smem:$0x3FB6] =	sst s0;
	s0 =	simm.s32 @!p1 $0x0  }
0x14: {  	s2 =	sld [smem:$0x3F9A];
	s0 =	simm.s32 @p1 $0x1  }
0x15: {  	[smem:$0x3FB7] =	sst s0;
	s0 =	simm.s32 @!p2 $0x0  }
0x16: {  	s3 =	sld [smem:$0x3FDB];
	s0 =	simm.s32 @p2 $0x1  }
0x17: {  	s4 =	simm.s32 $0x1BF5;
	[smem:$0x3FB9] =	sst s0  }
0x18: {  	s0 =	sld [smem:$0x3F9C];
	_ =	swait.ge [sflag:s4], $0x0  }
0x19: {  	s7 =	sld [smem:$0x3F9D]  }
0x1a: {  	s8 =	sadd.s32 $0xFFFFE003, lr  }
0x1b: {  	s9 =	sadd.s32 $0xFFFFFEF7, lr;
	s5 =	simm.s32 $0xFFFFFFFF;
	p2 =	slt.u32 s8, $0xFFFFF086  }
0x1c: {  	p1 =	slt.u32 s9, $0xF7A;
	s5 =	simm.s32 @!p2 $0x0  }
0x1d: {  	s5 =	simm.s32 @p1 $0x1;
	p0 =	seq.s32 s7, s2  }
0x1e: {  	s7 =	smul.u32 @!p0 $0xF7A, s2;
	p2 =	seq.s32 @!p0 s5, $0x0  }
0x1f: {  	s9 =	smul.u32 $0xF7A, s1;
	s8 =	simm.s32 @!p0 $0x1BF5;
	p2 =	por !p2, p0  }
0x20: {  	[sflag:s8] =	ssyncset.s32 @!p0 $0xFFFFF086;
	s6 =	sadd.s32 @!p0 s3, s7;
	s7 =	simm.s32 @!p0 $0x108  }
0x21: {  	s3 =	sadd.s32 s3, s9;
	s6 =	sadd.s32 @!p0 $0x88, s6;
	s7 =	simm.s32 @p2 $0x1082  }
0x22: {  	[simem:s7], [sflag:s8] =	dma.local @!p0 [hbm:s6], $0xF7A  }
0x23: {  	s9 =	sor.u32 $0xD0000000, s2;
	s6 =	simm.s32 $0x108;
	_ =	swait.ge @!p0 [sflag:s8], $0x0  }
0x24: {  	s3 =	sadd.s32 $0x88, s3;
	s6 =	simm.s32 @!p1 $0x1082;
	[sflag:s4] =	ssyncset.s32 $0xFFFFF086  }
0x25: {  	[simem:s6], [sflag:s4] =	dma.local [hbm:s3], $0xF7A  }
0x26: {  	[smem:$0x3F9D] =	sst s1;
	(tag) =	ssettag s2;
	_ =	strace s9  }
0x27: {  	s1 =	sld [smem:$0x3FAD]  }
0x28: {  	s2 =	sld [smem:$0x3FAE]  }
0x29: {  	s4 =	sld [smem:$0x3FB0]  }
0x2a: {  	p0 =	seq.s32 s5, $0x0;
	s5 =	sld [smem:$0x3FB1]  }
0x2b: {  	s6 =	sld [smem:$0x3FB2]  }
0x2c: {  	s7 =	sld [smem:$0x3FB3]  }
0x2d: {  	s3 =	simm.s32 $0x108;
	s8 =	sld [smem:$0x3FB4]  }
0x2e: {  	s3 =	simm.s32 @!p0 $0x1082;
	s9 =	sld [smem:$0x3FB5]  }
0x2f: {  	lr =	sadd.s32 s0, s3;
	s0 =	sld [smem:$0x3FAC]  }
0x30: {  	s3 =	sld [smem:$0x3FAF]  }
0x31: {  	[smem:$0x3FB8] =	sst s10  }
0x32: {  	s10 =	sld [smem:$0x3FB6];
	_ =	sdelay $0x3  }
0x33: {  	p0 =	seq.s32 s10, $0x1;
	s10 =	sld [smem:$0x3FB8];
	_ =	sdelay $0x3  }
0x34: {  	[smem:$0x3FB8] =	sst s10  }
0x35: {  	s10 =	sld [smem:$0x3FB7];
	_ =	sdelay $0x3  }
0x36: {  	p1 =	seq.s32 s10, $0x1;
	s10 =	sld [smem:$0x3FB8];
	_ =	sdelay $0x3  }
0x37: {  	[smem:$0x3FB8] =	sst s10  }
0x38: {  	s10 =	sld [smem:$0x3FB9]  }
0x39: {  	_ = 	snop;
	(pc) =	sbr.ind lr, $3  }
0x3a: {  	_ = 	snop  }
0x3b: {  	_ = 	snop  }
0x3c: {  	p2 =	seq.s32 s10, $0x1;
	s10 =	sld [smem:$0x3FB8]  }
0x3d: {  	_ =	shalt  }
0x3e: {  	_ =	shalt  }
0x3f: {  	_ =	shalt  }
0x40: {  	_ =	shalt  }
0x41: {  	_ =	shalt  }
0x42: {  	_ =	shalt  }
0x43: {  	_ =	shalt  }
0x44: {  	_ =	shalt  }
0x45: {  	_ =	shalt  }
0x46: {  	_ =	shalt  }
0x47: {  	_ =	shalt  }
0x48: {  	_ =	shalt  }
0x49: {  	_ =	shalt  }
0x4a: {  	_ =	shalt  }
0x4b: {  	_ =	shalt  }
0x4c: {  	_ =	shalt  }
0x4d: {  	_ =	shalt  }
0x4e: {  	_ =	shalt  }
0x4f: {  	_ =	shalt  }
0x50: {  	_ =	shalt  }
0x51: {  	_ =	shalt  }
0x52: {  	_ =	shalt  }
0x53: {  	_ =	shalt  }
0x54: {  	_ =	shalt  }
0x55: {  	_ =	shalt  }
0x56: {  	_ =	shalt  }
0x57: {  	_ =	shalt  }
0x58: {  	_ =	shalt  }
0x59: {  	_ =	shalt  }
0x5a: {  	_ =	shalt  }
0x5b: {  	_ =	shalt  }
0x5c: {  	_ =	shalt  }
0x5d: {  	_ =	shalt  }
0x5e: {  	_ =	shalt  }
0x5f: {  	_ =	shalt  }
0x60: {  	_ =	shalt  }
0x61: {  	_ =	shalt  }
0x62: {  	_ =	shalt  }
0x63: {  	_ =	shalt  }
0x64: {  	_ =	shalt  }
0x65: {  	_ =	shalt  }
0x66: {  	_ =	shalt  }
0x67: {  	_ =	shalt  }
0x68: {  	_ =	shalt  }
0x69: {  	_ =	shalt  }
0x6a: {  	_ =	shalt  }
0x6b: {  	_ =	shalt  }
0x6c: {  	_ =	shalt  }
0x6d: {  	_ =	shalt  }
0x6e: {  	_ =	shalt  }
0x6f: {  	_ =	shalt  }
0x70: {  	_ =	shalt  }
0x71: {  	_ =	shalt  }
0x72: {  	_ =	shalt  }
0x73: {  	_ =	shalt  }
0x74: {  	_ =	shalt  }
0x75: {  	_ =	shalt  }
0x76: {  	_ =	shalt  }
0x77: {  	_ =	shalt  }
0x78: {  	_ =	shalt  }
0x79: {  	_ =	shalt  }
0x7a: {  	_ =	shalt  }
0x7b: {  	_ =	shalt  }
0x7c: {  	_ =	shalt  }
0x7d: {  	_ =	shalt  }
0x7e: {  	_ =	shalt  }
0x7f: {  	_ =	shalt  }
0x80: {  	_ =	shalt  }
0x81: {  	_ =	shalt  }
0x82: {  	_ =	shalt  }
0x83: {  	_ =	shalt  }
0x84: {  	_ =	shalt  }
0x85: {  	_ =	shalt  }
0x86: {  	_ =	shalt  }
0x87: {  	_ =	shalt  }
.Lfunc_end0:
.L_simem_size_0:
called_computation_lowered:
.L_overlay_start_0:
0x88: {  	s2 =	sld [smem:$0x3FD9]  }
0x89: {  	s3 =	sld [smem:$0x3FFE];
	_ =	sdelay $0x1  }
0x8a: {  	s1 =	srdreg.scid  }
0x8b: {  	s0 =	sand.u32 $0x1, s1  }
0x8c: {  	s17 =	sshll.u32 s0, $0xA;
	s2 =	sadd.s32 s3, s2  }
0x8d: {  	s2 =	sadd.s32 s2, s17  }
0x8e: {  	[smem:$0x3FC4] =	sst s2  }
0x8f: {  	_ = 	snop  }
0x90: {  	s2 =	sld [smem:$0x3FD0];
	(tm) =	ssettm $0x1  }
0x91: {  	s18 =	sld [smem:$0x3FFB];
	_ =	sdelay $0x3  }
0x92: {  	_ =	strace s18  }
0x93: {  	s3 =	sld [smem:$0x3FFC];
	_ =	sdelay $0x3  }
0x94: {  	_ =	strace s3  }
0x95: {  	s3 =	sld [smem:$0x3FFD];
	_ =	sdelay $0x3  }
0x96: {  	_ =	strace s3  }
0x97: {  	_ =	strace $0x8FFFFFFF  }
0x98: {  	s19 =	sld [smem:$0x3FDB];
	_ =	sdelay $0x1  }
0x99: {  	s4 =	simm.s32 $_scs_section_size  }
0x9a: {  	s5 =	simm.s32 $_size__tile_overlayer_lowered;
	s6 =	simm.s32 $_tile_overlayer_lowered  }
0x9b: {  	s22 =	simm.s32 $0x1BFF;
	s21 =	sshll.u32 s6, $0x1;
	s3 =	sadd.s32 s4, s19  }
0x9c: {  	s7 =	simm.s32 $0x0;
	s20 =	sshll.u32 s5, $0x1;
	s5 =	sadd.s32 s21, s3  }
0x9d: {  	[timem:s7], [sflag:s22] =	dma.local [hbm:s5], s20  }
0x9e: {  	_ =	swait.ge [sflag:s22], s20  }
0x9f: {  	s4 =	ssub.s32 $0x0, s20;
	[sflag:s22] =	ssyncset.done $0x0  }
0xa0: {  	[sflag:s22] =	ssyncadd.s32 s4;
	_ =	sdelay $0x1  }
0xa1: {  	s23 =	simm.s32 $0x1B8B  }
0xa2: {  	_ =	swait.ge [sflag:s23], $0x1  }
0xa3: {  	[sflag:s23] =	ssyncset.done $0x0  }
0xa4: {  	s25 =	simm.s32 $0x1B8E;
	s24 =	sld [smem:$0x3FFE];
	[sflag:s23] =	ssyncadd.s32 $0xFFFFFFFF  }
0xa5: {  	s26 =	simm.s32 $execute0_lowered;
	[smem:$0x3FD2] =	sst s25  }
0xa6: {  	s5 =	sshll.u32 s26, $0x1;
	_ =	strace $0x80000046;
	[dreg:$0x1] =	wrdreg $0xFFFFFFFF  }
0xa7: {  	s28 =	simm.s32 $_size_execute0_lowered;
	s3 =	sadd.s32 s3, s5;
	[dreg:$0x0] =	wrdreg $0x0  }
0xa8: {  	s5 =	sshll.u32 s28, $0x1;
	[dreg:$0x2] =	wrdreg s3  }
0xa9: {  	[dreg:$0x3] =	wrdreg s5  }
0xaa: {  	[dreg:$0x4] =	wrdreg $0xC0  }
0xab: {  	_ =	task [dreg:s7], $0x5FFFF  }
0xac: {  	[dreg:$0x1] =	wrdreg $0xFFFFFFFF  }
0xad: {  	[dreg:$0x0] =	wrdreg $0x60  }
0xae: {  	[dreg:$0x2] =	wrdreg s24  }
0xaf: {  	[dreg:$0x3] =	wrdreg s2  }
0xb0: {  	[dreg:$0x4] =	wrdreg $0x9  }
0xb1: {  	_ =	task.clear_ibuf [dreg:s7], $0x5FFFF;
	_ =	strace $0x90000046  }
0xb2: {  	s29 =	simm.s32 $0x9;
	_ =	strace $0x80000048  }
0xb3: {  	_ =	swait.ge [sflag:s29], $0x1  }
0xb4: {  	[sflag:s29] =	ssyncadd.s32 $0xFFFFFFFF  }
0xb5: {  	_ =	strace $0x90000048  }
0xb6: {  	_ =	sfence  }
0xb7: {  	s30 =	sld [smem:$0x0];
	_ =	sdelay $0x2  }
0xb8: {  	s31 =	sshll.u32 s1, $0xD;
	s1 =	sshrl.u32 s1, $0x2  }
0xb9: {  	s3 =	sand.u32 $0x4000, s31;
	s1 =	sadd.s32 s1, s30  }
0xba: {  	s0 =	sor.u32 s3, s0;
	s1 =	sshll.u32 s1, $0x11  }
0xbb: {  	s0 =	sor.u32 s1, s0  }
0xbc: {  	s0 =	sadd.s32 $0x8F2B, s0  }
0xbd: {  	[sflag:s0] =	ssyncadd.remote.s32 $0x1  }
0xbe: {  	_ =	sfence.sel $0xFFFF  }
0xbf: {  	[dreg:$0x0] =	wrdreg $0xFFFFFFFF;
	(pc) =	sbr.abs _section_cstart, $3  }
0xc0: {  	[dreg:$0x1] =	wrdreg $0xFFFFFFFF  }
0xc1: {  	_ =	task.clear_ibuf [dreg:s7], $0x2FFFF;
	_ =	strace $0x9FFFFFFF  }
0xc2: {  	(tm) =	ssettm $0x7FFFFFFF  }
0xc3: {  	_ =	shalt  }
tec
execute0_lowered:
.L_overlay_start_1:
0x0: {  	(tag) =	ssettag $0x1  }
0x1: {  	s2 =	rddreg [dreg:$0x0]  }
0x2: {  	s1 =	srdreg.scid;
	s0 =	stileid.u32  }
0x3: {  	s3 =	rddreg [dreg:$0x1];
	s4 =	simm.s32 $0x0;
	s8 =	simm.s32 $0x3E80  }
0x4: {  	s9 =	simm.s32 $0x3;
	s10 =	simm.s32 $0x1;
	s13 =	simm.s32 $0x20  }
0x5: {  	s14 =	simm.s32 $0xFC00;
	s1 =	sand.u32 $0x1, s1;
	s5 =	sshll.u32 s0, $0x1  }
0x6: {  	s15 =	simm.s32 $0x10C00;
	s16 =	simm.s32 $0x2;
	s5 =	sor.u32 s1, s5  }
0x7: {  	s17 =	simm.s32 $0x11C00;
	s18 =	simm.s32 $0x4;
	s6 =	smul.u32 $0x1400, s5  }
.Ltmp0:
0x8: {  	s19 =	simm.s32 $0x0;
	s1 =	ssub.s32 $0x2, s1;
	(pc) =	sbr.rel .LBB2_1-.Ltmp0, $4  }
0x9: {  	[smem:$0x7FF] =	sst s4;
	s7 =	sshrl.u32 s1, $0x1;
	s11 =	smul.u32 $0x140, s5  }
0xa: {  	v2 =	vimm.s32 $0x7F807F80;
	v3 =	vimm.s32 $0x0;
	v4 =	vlaneseq.u32;
	_ =	strace $0x80000047;
	s5 =	sadd.s32 $0x9E00, s2;
	s1 =	ssub.s32 s1, s7  }
0xb: {  	v5 =	vimm.s32 $0x140;
	v6 =	vor.u32 $0x10, v4;
	v7 =	vor.u32 $0x20, v4;
	s6 =	sadd.s32 s6, s2;
	s12 =	sadd.s32 $0x140, s11;
	s7 =	smax.u32 s1, $0x1  }
0xc: {  	v8 =	vor.u32 $0x30, v4;
	v0 =	vmov s11;
	s11 =	simm.s32 $0x7D00;
	s6 =	sadd.s32 $0x13C00, s6;
	v1 =	vmov s12;
	s12 =	simm.s32 $0xBC80  }
.LBB2_35:
0xd: {  	s19 =	sadd.s32 $0x1, s19  }
0xe: {  	p0 =	sne.s32 s19, s7  }
.Ltmp1:
0xf: {  	_ = 	snop;
	(pc) =	sbr.rel @!p0 .LBB2_36-.Ltmp1, $4  }
0x10: {  	[hbm4b:s6+s4] =	stream.linear.scatter [tilespmem:s17], [sflag:$0x4], $0xA000, $0x38;
	[tilespmem:$0x1C000] =	vst v63  }
0x11: {  	_ =	swait.ge [sflag:s18], $0xA000  }
0x12: {  	[sflag:s18] =	ssyncset.done $0x0  }
0x13: {  	[sflag:s18] =	ssyncadd.s32 $0xFFFF6000  }
.LBB2_1:
0x14: {  	s1 =	simm.s32 $0x0  }
.LBB2_2:
0x15: {  	p0 =	sne.s32 s1, $0x28000  }
.Ltmp2:
0x16: {  	s20 =	sshra.s32 s1, $0x2;
	(pc) =	sbr.rel @p0 .LBB2_2-.Ltmp2, $4  }
0x17: {  	[tilespmem:s20+$0x11C00] =	vst v2  }
0x18: {  	[tilespmem:s20+$0x11C10] =	vst v2  }
0x19: {  	[tilespmem:s20+$0x11C20] =	vst v2  }
0x1a: {  	s1 =	sadd.s32 $0x200, s1;
	[tilespmem:s20+$0x11C30] =	vst v2  }
0x1b: {  	s1 =	simm.s32 $0x40;
	s20 =	simm.s32 $0x0  }
.LBB2_4:
0x1c: {  	p0 =	sne.s32 s1, $0xFCC0;
	[tilespmem:s20+$0x7D00] =	vst v3;
	s20 =	smov.u32 s1;
	s1 =	sadd.s32 $0x40, s1  }
.Ltmp3:
0x1d: {  	(pc) =	sbr.rel @p0 .LBB2_4-.Ltmp3, $2  }
0x1e: {  	_ =	sdelay $0x2  }
0x1f: {  	s20 =	sshra.s32 s20, $0x2  }
.Ltmp4:
0x20: {  	(pc) =	sbr.rel .LBB2_6-.Ltmp4, $4  }
0x21: {  	[tilespmem:s20+$0x7D00] =	vst v3;
	s20 =	simm.s32 $0x0  }
0x22: {  	[tilespmem:s20], [sflag:$0x3] =	stream.linear.gather [hbm4b:s5+s20], $0x3E80, $0x38;
	[tilespmem:$0x1C000] =	vst v63  }
0x23: {  	s23 =	simm.s32 $0x0  }
0x24: {  	[tilespmem:s8], [sflag:$0x3] =	stream.linear.gather [hbm4b:s2+s20], $0x3E80, $0x38;
	[tilespmem:$0x1C000] =	vst v63  }
.LBB2_33:
0x25: {  	s0 =	sadd.s32 $0xFFFFFFE0, s21;
	[sflag:s16] =	ssyncadd.s32 @p0 $0xFFFFF000  }
0x26: {  	[tilespmem:s15], [sflag:$0x2] =	stream.indirect.gather [hbm4b:s3+s13], $0x80, s0, s13, $0xb8;
	[tilespmem:$0x1C000] =	vst v63  }
0x27: {  	_ =	swait.ge [sflag:s10], $0x1000  }
0x28: {  	[sflag:s10] =	ssyncset.done $0x0  }
0x29: {  	[sflag:s10] =	ssyncadd.s32 $0xFFFFF000  }
0x2a: {  	[tilespmem:s14], [sflag:$0x1] =	stream.indirect.gather [hbm4b:s3+s13], $0x80, s21, s13, $0xb8;
	[tilespmem:$0x1C000] =	vst v63  }
0x2b: {  	_ =	swait.ge [sflag:s16], $0x1000  }
0x2c: {  	[sflag:s16] =	ssyncset.done $0x0  }
0x2d: {  	[sflag:s16] =	ssyncadd.s32 $0xFFFFF000  }
0x2e: {  	_ =	swait.ge [sflag:s10], $0x1000  }
0x2f: {  	[sflag:s10] =	ssyncset.done $0x0  }
0x30: {  	[sflag:s10] =	ssyncadd.s32 $0xFFFFF000  }
.LBB2_34:
0x31: {  	p0 =	sne.s32 s23, $0x14  }
.Ltmp5:
0x32: {  	_ = 	snop;
	(pc) =	sbr.rel @!p0 .LBB2_35-.Ltmp5, $1  }
0x33: {  	_ =	sdelay $0x3  }
.LBB2_6:
0x34: {  	_ =	swait.ge [sflag:s9], $0x3E80  }
0x35: {  	[sflag:s9] =	ssyncset.done $0x0  }
0x36: {  	[sflag:s9] =	ssyncadd.s32 $0xFFFFC180  }
0x37: {  	_ =	swait.ge [sflag:s9], $0x3E80  }
0x38: {  	[sflag:s9] =	ssyncset.done $0x0  }
0x39: {  	s1 =	simm.s32 $0x0;
	[sflag:s9] =	ssyncadd.s32 $0xFFFFC180  }
0x3a: {  	v9 =	vld [tilespmem:s1+$0x3E80];
	_ =	sdelay $0x1  }
0x3b: {  	v10 =	vld [tilespmem:s1+$0x0];
	_ =	sdelay $0x2  }
0x3c: {  	vm0 =	vge.s32 v9, v0;
	vm1 =	vlt.s32 v9, v1  }
0x3d: {  	vm0 =	vmand vm0, vm1  }
0x3e: {  	v9 =	vsub.s32 v9, v0;
	[tilespmem:s20+$0x7D00] =	vst.msk vm0, v10  }
0x3f: {  	[tilespmem:s20+$0xBC80] =	vst.msk vm0, v9  }
0x40: {  	v9 =	vld [tilespmem:s1+$0x4E20];
	_ =	sdelay $0x1  }
0x41: {  	v10 =	vld [tilespmem:s1+$0xFA0];
	_ =	sdelay $0x2  }
0x42: {  	vm1 =	vge.s32 v9, v0;
	vm2 =	vlt.s32 v9, v1  }
0x43: {  	s21 =	simm.s32 $0xFB0;
	vm1 =	vmand vm1, vm2  }
0x44: {  	v9 =	vsub.s32 v9, v0;
	[tilespmem:s21+$0x7D00] =	vst.msk vm1, v10  }
0x45: {  	[tilespmem:s21+$0xBC80] =	vst.msk vm1, v9  }
0x46: {  	v9 =	vld [tilespmem:s1+$0x5DC0];
	_ =	sdelay $0x1  }
0x47: {  	v10 =	vld [tilespmem:s1+$0x1F40];
	_ =	sdelay $0x2  }
0x48: {  	vm2 =	vge.s32 v9, v0;
	vm3 =	vlt.s32 v9, v1  }
0x49: {  	s26 =	simm.s32 $0x1F60;
	v11 =	vmpcnt.ones.xlane vm0;
	vm0 =	vmand vm2, vm3  }
0x4a: {  	v9 =	vsub.s32 v9, v0;
	[tilespmem:s26+$0x7D00] =	vst.msk vm0, v10  }
0x4b: {  	(v2sf) =	vpush v11, $0x0;
	[tilespmem:s26+$0xBC80] =	vst.msk vm0, v9  }
0x4c: {  	v9 =	vld [tilespmem:s1+$0x6D60];
	_ =	sdelay $0x1  }
0x4d: {  	v10 =	vld [tilespmem:s1+$0x2EE0];
	_ =	sdelay $0x2  }
0x4e: {  	v11 =	vmpcnt.ones.xlane vm0;
	vm0 =	vge.s32 v9, v0;
	vm2 =	vlt.s32 v9, v1  }
0x4f: {  	s22 =	simm.s32 $0x2F10;
	v12 =	vmpcnt.ones.xlane vm1;
	vm0 =	vmand vm0, vm2  }
0x50: {  	(v2sf) =	vpush v11, $0x0;
	v9 =	vsub.s32 v9, v0;
	[tilespmem:s22+$0x7D00] =	vst.msk vm0, v10;
	v10 =	vmpcnt.ones.xlane vm0  }
0x51: {  	s25 =	simm.s32 $0x10;
	(v2sf) =	vpush v12, $0x0;
	[tilespmem:s22+$0xBC80] =	vst.msk vm0, v9  }
0x52: {  	v9 =	vld [tilespmem:s25+$0x3E80];
	(v2sf) =	vpush v10, $0x0;
	_ =	sdelay $0x1  }
0x53: {  	v10 =	vld [tilespmem:s25+$0x0];
	_ =	sdelay $0x2  }
0x54: {  	s30 =	spop (v2sf);
	vm0 =	vge.s32 v9, v0;
	vm1 =	vlt.s32 v9, v1  }
0x55: {  	s24 =	sadd.s32 $0x0, s30;
	vm0 =	vmand vm0, vm1  }
0x56: {  	v9 =	vsub.s32 v9, v0;
	[tilespmem:s24+$0x7D00] =	vst.msk vm0, v10  }
0x57: {  	[tilespmem:s24+$0xBC80] =	vst.msk vm0, v9;
	v9 =	vmpcnt.ones.xlane vm0  }
0x58: {  	v10 =	vld [tilespmem:s25+$0x4E20]  }
0x59: {  	(v2sf) =	vpush v9, $0x0;
	_ =	sdelay $0x1  }
0x5a: {  	v9 =	vld [tilespmem:s25+$0xFA0]  }
0x5b: {  	s31 =	spop (v2sf)  }
0x5c: {  	s28 =	simm.s32 $0x80;
	s21 =	smov.u32 s23;
	s26 =	spop (v2sf);
	vm0 =	vge.s32 v10, v0;
	vm1 =	vlt.s32 v10, v1  }
0x5d: {  	s23 =	sadd.s32 $0x1F60, s31;
	s26 =	sadd.s32 $0xFB0, s26;
	v10 =	vsub.s32 v10, v0;
	vm0 =	vmand vm0, vm1;
	s29 =	spop (v2sf)  }
.LBB2_7:
0x5e: {  	p0 =	sne.s32 s28, $0x3E40  }
0x5f: {  	[tilespmem:s26+$0x7D00] =	vst.msk vm0, v9;
	s22 =	sadd.s32 s22, s29;
	s1 =	smov.u32 s28;
	s28 =	sadd.s32 $0x40, s28  }
0x60: {  	[tilespmem:s26+$0xBC80] =	vst.msk vm0, v10  }
0x61: {  	v9 =	vld [tilespmem:s25+$0x5DC0];
	_ =	sdelay $0x1  }
0x62: {  	v10 =	vld [tilespmem:s25+$0x1F40];
	_ =	sdelay $0x2  }
0x63: {  	vm1 =	vge.s32 v9, v0;
	vm2 =	vlt.s32 v9, v1  }
0x64: {  	vm1 =	vmand vm1, vm2;
	s29 =	spop (v2sf)  }
0x65: {  	v9 =	vsub.s32 v9, v0;
	s24 =	sadd.s32 s24, s29;
	[tilespmem:s23+$0x7D00] =	vst.msk vm1, v10;
	v10 =	vmpcnt.ones.xlane vm1  }
0x66: {  	[tilespmem:s23+$0xBC80] =	vst.msk vm1, v9  }
0x67: {  	v9 =	vld [tilespmem:s25+$0x6D60];
	(v2sf) =	vpush v10, $0x0  }
0x68: {  	v10 =	vld [tilespmem:s25+$0x2EE0];
	_ =	sdelay $0x3  }
0x69: {  	vm1 =	vge.s32 v9, v0;
	vm2 =	vlt.s32 v9, v1  }
0x6a: {  	v11 =	vmpcnt.ones.xlane vm0;
	vm0 =	vmand vm1, vm2  }
0x6b: {  	v9 =	vsub.s32 v9, v0;
	[tilespmem:s22+$0x7D00] =	vst.msk vm0, v10;
	v10 =	vmpcnt.ones.xlane vm0  }
0x6c: {  	s25 =	sshra.s32 s1, $0x2;
	[tilespmem:s22+$0xBC80] =	vst.msk vm0, v9;
	(v2sf) =	vpush v11, $0x0  }
0x6d: {  	v9 =	vld [tilespmem:s25+$0x3E80];
	(v2sf) =	vpush v10, $0x0;
	_ =	sdelay $0x1  }
0x6e: {  	v10 =	vld [tilespmem:s25+$0x0];
	_ =	sdelay $0x2  }
0x6f: {  	vm0 =	vge.s32 v9, v0;
	vm1 =	vlt.s32 v9, v1  }
0x70: {  	vm0 =	vmand vm0, vm1;
	s1 =	spop (v2sf)  }
0x71: {  	v9 =	vsub.s32 v9, v0;
	[tilespmem:s24+$0x7D00] =	vst.msk vm0, v10;
	v10 =	vmpcnt.ones.xlane vm0;
	s23 =	sadd.s32 s23, s1  }
0x72: {  	[tilespmem:s24+$0xBC80] =	vst.msk vm0, v9  }
0x73: {  	v11 =	vld [tilespmem:s25+$0x4E20];
	(v2sf) =	vpush v10, $0x0;
	_ =	sdelay $0x1  }
.Ltmp6:
0x74: {  	v9 =	vld [tilespmem:s25+$0xFA0];
	(pc) =	sbr.rel @p0 .LBB2_7-.Ltmp6, $3  }
0x75: {  	_ =	sdelay $0x1  }
0x76: {  	vm0 =	vge.s32 v11, v0;
	vm1 =	vlt.s32 v11, v1;
	v10 =	vsub.s32 v11, v0;
	s1 =	spop (v2sf)  }
0x77: {  	vm0 =	vmand vm0, vm1;
	s26 =	sadd.s32 s26, s1;
	s29 =	spop (v2sf)  }
0x78: {  	[tilespmem:s26+$0x7D00] =	vst.msk vm0, v9  }
0x79: {  	[tilespmem:s26+$0xBC80] =	vst.msk vm0, v10  }
0x7a: {  	v9 =	vld [tilespmem:s25+$0x5DC0];
	_ =	sdelay $0x2  }
0x7b: {  	v10 =	vld [tilespmem:s25+$0x1F40];
	_ =	sdelay $0x1  }
0x7c: {  	vm1 =	vge.s32 v9, v0;
	vm2 =	vlt.s32 v9, v1  }
0x7d: {  	vm1 =	vmand vm1, vm2  }
0x7e: {  	v11 =	vmpcnt.ones.xlane vm1  }
0x7f: {  	[tilespmem:s23+$0x7D00] =	vst.msk vm1, v10;
	v10 =	vmpcnt.ones.xlane vm0  }
0x80: {  	(v2sf) =	vpush v11, $0x0  }
0x81: {  	(v2sf) =	vpush v10, $0x0;
	_ =	sdelay $0x1  }
0x82: {  	v9 =	vsub.s32 v9, v0  }
0x83: {  	[tilespmem:s23+$0xBC80] =	vst.msk vm1, v9  }
0x84: {  	v9 =	vld [tilespmem:s25+$0x6D60];
	_ =	sdelay $0x4  }
0x85: {  	vm14 =	vge.s32 v9, v0;
	vm15 =	vlt.s32 v9, v1  }
0x86: {  	vm0 =	vmand vm14, vm15  }
0x87: {  	v10 =	vmpcnt.ones.xlane vm0;
	_ =	sdelay $0x1  }
0x88: {  	s28 =	spop (v2sf);
	(v2sf) =	vpush v10, $0x0  }
0x89: {  	s30 =	spop (v2sf)  }
0x8a: {  	s1 =	spop (v2sf)  }
0x8b: {  	s1 =	sadd.s32 s26, s1  }
0x8c: {  	s26 =	sadd.s32 $0xFFFFF05F, s1  }
0x8d: {  	s31 =	sand.u32 $0xF, s26  }
0x8e: {  	s0 =	sshra.s32 s26, $0x1F;
	p1 =	slt.s32 s26, $0x1;
	p0 =	sne.s32 s31, $0x0  }
0x8f: {  	v10 =	vld [tilespmem:s25+$0x2EE0];
	s25 =	sshrl.u32 s0, $0x1C;
	p0 =	por !p1, !p0  }
0x90: {  	s25 =	sadd.s32 s25, s26;
	s26 =	simm.s32 $0x1;
	p0 =	por !p0, !p0  }
0x91: {  	s25 =	sshra.s32 s25, $0x4;
	s26 =	simm.s32 @!p0 $0x0  }
0x92: {  	s26 =	ssub.s32 s25, s26  }
0x93: {  	p0 =	slt.s32 s26, $0x1  }
.Ltmp7:
0x94: {  	_ = 	snop;
	(pc) =	sbr.rel @p0 .LBB2_15-.Ltmp7, $4  }
0x95: {  	_ = 	snop  }
0x96: {  	s29 =	sadd.s32 s22, s29  }
0x97: {  	v9 =	vsub.s32 v9, v0;
	[tilespmem:s29+$0x7D00] =	vst.msk vm0, v10;
	s31 =	spop (v2sf)  }
0x98: {  	s22 =	sadd.s32 s24, s28;
	[tilespmem:s29+$0xBC80] =	vst.msk vm0, v9;
	s24 =	sadd.s32 s23, s30;
	s23 =	sadd.s32 s29, s31  }
0x99: {  	p1 =	sne.s32 s26, $0x1  }
.Ltmp8:
0x9a: {  	_ = 	snop;
	(pc) =	sbr.rel @!p1 .LBB2_10-.Ltmp8, $4  }
0x9b: {  	_ = 	snop  }
0x9c: {  	s25 =	simm.s32 $0x8CB0  }
0x9d: {  	s28 =	simm.s32 $0xCC30;
	v9 =	vld [tilespmem:s25+$0x0]  }
0x9e: {  	s0 =	sadd.s32 $0xFFFFF050, s1;
	s1 =	sadd.s32 $0xFFFFFFFF, s26;
	p0 =	por $0x0, $0x0;
	v10 =	vld [tilespmem:s28+$0x0]  }
0x9f: {  	_ = 	snop  }
0xa0: {  	v11 =	vmov s0;
	p1 =	sne.s32 s1, $0x1  }
.Ltmp9:
0xa1: {  	vm0 =	vgt.s32 v11, v4;
	(pc) =	sbr.rel @!p1 .LBB2_12-.Ltmp9, $4  }
0xa2: {  	[tilespmem:s22+$0x7D00] =	vst.msk vm0, v9  }
0xa3: {  	s30 =	simm.s32 $0x8CC0;
	[tilespmem:s22+$0xBC80] =	vst.msk vm0, v10  }
0xa4: {  	s31 =	simm.s32 $0xCC40;
	s1 =	sadd.s32 $0xFFFFFFFF, s1;
	p0 =	por $0x1, $0x1;
	v9 =	vld [tilespmem:s30+$0x0]  }
0xa5: {  	s25 =	smov.u32 s0;
	s29 =	smov.u32 s0;
	s28 =	smov.u32 s22;
	v10 =	vld [tilespmem:s31+$0x0]  }
.LBB2_13:
0xa6: {  	p1 =	sne.s32 s1, $0x1  }
0xa7: {  	p2 =	slt.s32 s25, $0x10;
	s29 =	sadd.s32 $0xFFFFFFF0, s29;
	s26 =	smov.u32 s25  }
0xa8: {  	v11 =	vmov s29;
	s26 =	simm.s32 @!p2 $0x10;
	s25 =	smov.u32 s29  }
.Ltmp10:
0xa9: {  	vm0 =	vgt.s32 v11, v4;
	s28 =	sadd.s32 s28, s26;
	(pc) =	sbr.rel @p1 .LBB2_13-.Ltmp10, $4  }
0xaa: {  	[tilespmem:s28+$0x7D00] =	vst.msk vm0, v9  }
0xab: {  	s30 =	sadd.s32 $0x10, s30;
	[tilespmem:s28+$0xBC80] =	vst.msk vm0, v10  }
0xac: {  	s31 =	sadd.s32 $0x10, s31;
	v9 =	vld [tilespmem:s30+$0x0]  }
0xad: {  	s1 =	sadd.s32 $0xFFFFFFFF, s1;
	v10 =	vld [tilespmem:s31+$0x0]  }
.LBB2_14:
0xae: {  	p1 =	slt.s32 @p0 s25, $0x10  }
0xaf: {  	s1 =	sadd.s32 @p0 $0xFFFFFFF0, s29;
	p1 =	por !p1, !p0  }
0xb0: {  	s0 =	smov.u32 @p0 s1;
	s25 =	simm.s32 @p1 $0x10  }
0xb1: {  	v11 =	vmov s0;
	s1 =	sadd.s32 @p0 s28, s25  }
0xb2: {  	vm0 =	vgt.s32 v11, v4;
	s22 =	smov.u32 @p0 s1;
	p0 =	slt.s32 s0, $0x10  }
0xb3: {  	[tilespmem:s22+$0x7D00] =	vst.msk vm0, v9;
	s0 =	simm.s32 @!p0 $0x10  }
0xb4: {  	[tilespmem:s22+$0xBC80] =	vst.msk vm0, v10;
	s22 =	sadd.s32 s22, s0  }
.LBB2_15:
0xb5: {  	s0 =	sadd.s32 $0xFFFFE0AF, s24  }
0xb6: {  	s1 =	sand.u32 $0xF, s0  }
0xb7: {  	s25 =	sshra.s32 s0, $0x1F;
	p0 =	slt.s32 s0, $0x1;
	p1 =	sne.s32 s1, $0x0  }
0xb8: {  	s31 =	sshrl.u32 s25, $0x1C;
	p0 =	por !p0, !p1  }
0xb9: {  	s1 =	simm.s32 $0x1;
	s0 =	sadd.s32 s31, s0;
	p0 =	por !p0, !p0  }
0xba: {  	s0 =	sshra.s32 s0, $0x4;
	s1 =	simm.s32 @!p0 $0x0  }
0xbb: {  	s1 =	ssub.s32 s0, s1  }
0xbc: {  	p0 =	slt.s32 s1, $0x1  }
.Ltmp11:
0xbd: {  	_ = 	snop;
	(pc) =	sbr.rel @p0 .LBB2_22-.Ltmp11, $1  }
0xbe: {  	_ =	sdelay $0x3  }
0xbf: {  	p1 =	sne.s32 s1, $0x1  }
.Ltmp12:
0xc0: {  	_ = 	snop;
	(pc) =	sbr.rel @!p1 .LBB2_17-.Ltmp12, $4  }
0xc1: {  	_ = 	snop  }
0xc2: {  	s0 =	simm.s32 $0x9C60  }
0xc3: {  	s25 =	simm.s32 $0xDBE0;
	v9 =	vld [tilespmem:s0+$0x0]  }
0xc4: {  	s24 =	sadd.s32 $0xFFFFE0A0, s24;
	s1 =	sadd.s32 $0xFFFFFFFF, s1;
	p0 =	por $0x0, $0x0;
	v10 =	vld [tilespmem:s25+$0x0]  }
0xc5: {  	_ = 	snop  }
0xc6: {  	v11 =	vmov s24;
	p1 =	sne.s32 s1, $0x1  }
.Ltmp13:
0xc7: {  	vm0 =	vgt.s32 v11, v4;
	(pc) =	sbr.rel @!p1 .LBB2_19-.Ltmp13, $4  }
0xc8: {  	[tilespmem:s22+$0x7D00] =	vst.msk vm0, v9  }
0xc9: {  	s29 =	simm.s32 $0x9C70;
	[tilespmem:s22+$0xBC80] =	vst.msk vm0, v10  }
0xca: {  	s30 =	simm.s32 $0xDBF0;
	s1 =	sadd.s32 $0xFFFFFFFF, s1;
	p0 =	por $0x1, $0x1;
	v9 =	vld [tilespmem:s29+$0x0]  }
0xcb: {  	s25 =	smov.u32 s24;
	s28 =	smov.u32 s24;
	s26 =	smov.u32 s22;
	v10 =	vld [tilespmem:s30+$0x0]  }
.LBB2_20:
0xcc: {  	p1 =	sne.s32 s1, $0x1  }
0xcd: {  	p2 =	slt.s32 s25, $0x10;
	s28 =	sadd.s32 $0xFFFFFFF0, s28;
	s0 =	smov.u32 s25  }
0xce: {  	v11 =	vmov s28;
	s0 =	simm.s32 @!p2 $0x10;
	s25 =	smov.u32 s28  }
.Ltmp14:
0xcf: {  	vm0 =	vgt.s32 v11, v4;
	s26 =	sadd.s32 s26, s0;
	(pc) =	sbr.rel @p1 .LBB2_20-.Ltmp14, $4  }
0xd0: {  	[tilespmem:s26+$0x7D00] =	vst.msk vm0, v9  }
0xd1: {  	s29 =	sadd.s32 $0x10, s29;
	[tilespmem:s26+$0xBC80] =	vst.msk vm0, v10  }
0xd2: {  	s30 =	sadd.s32 $0x10, s30;
	v9 =	vld [tilespmem:s29+$0x0]  }
0xd3: {  	s1 =	sadd.s32 $0xFFFFFFFF, s1;
	v10 =	vld [tilespmem:s30+$0x0]  }
.LBB2_21:
0xd4: {  	p1 =	slt.s32 @p0 s25, $0x10  }
0xd5: {  	s0 =	sadd.s32 @p0 $0xFFFFFFF0, s28;
	p1 =	por !p1, !p0  }
0xd6: {  	s24 =	smov.u32 @p0 s0;
	s25 =	simm.s32 @p1 $0x10  }
0xd7: {  	v11 =	vmov s24;
	s0 =	sadd.s32 @p0 s26, s25  }
0xd8: {  	vm0 =	vgt.s32 v11, v4;
	s22 =	smov.u32 @p0 s0;
	p0 =	slt.s32 s24, $0x10  }
0xd9: {  	[tilespmem:s22+$0x7D00] =	vst.msk vm0, v9;
	s24 =	simm.s32 @!p0 $0x10  }
0xda: {  	[tilespmem:s22+$0xBC80] =	vst.msk vm0, v10;
	s22 =	sadd.s32 s22, s24  }
.LBB2_22:
0xdb: {  	s0 =	sadd.s32 $0xFFFFD0FF, s23  }
0xdc: {  	s1 =	sand.u32 $0xF, s0  }
0xdd: {  	s24 =	sshra.s32 s0, $0x1F;
	p0 =	slt.s32 s0, $0x1;
	p1 =	sne.s32 s1, $0x0  }
0xde: {  	s31 =	sshrl.u32 s24, $0x1C;
	p0 =	por !p0, !p1  }
0xdf: {  	s1 =	simm.s32 $0x1;
	s0 =	sadd.s32 s31, s0;
	p0 =	por !p0, !p0  }
0xe0: {  	s0 =	sshra.s32 s0, $0x4;
	s1 =	simm.s32 @!p0 $0x0  }
0xe1: {  	s1 =	ssub.s32 s0, s1  }
0xe2: {  	p0 =	slt.s32 s1, $0x1  }
.Ltmp15:
0xe3: {  	_ = 	snop;
	(pc) =	sbr.rel @p0 .LBB2_29-.Ltmp15, $1  }
0xe4: {  	_ =	sdelay $0x3  }
0xe5: {  	p1 =	sne.s32 s1, $0x1  }
.Ltmp16:
0xe6: {  	_ = 	snop;
	(pc) =	sbr.rel @!p1 .LBB2_24-.Ltmp16, $4  }
0xe7: {  	_ = 	snop  }
0xe8: {  	s0 =	simm.s32 $0xAC10  }
0xe9: {  	s24 =	simm.s32 $0xEB90;
	v9 =	vld [tilespmem:s0+$0x0]  }
0xea: {  	s23 =	sadd.s32 $0xFFFFD0F0, s23;
	s1 =	sadd.s32 $0xFFFFFFFF, s1;
	p0 =	por $0x0, $0x0;
	v10 =	vld [tilespmem:s24+$0x0]  }
0xeb: {  	_ = 	snop  }
0xec: {  	v11 =	vmov s23;
	p1 =	sne.s32 s1, $0x1  }
.Ltmp17:
0xed: {  	vm0 =	vgt.s32 v11, v4;
	(pc) =	sbr.rel @!p1 .LBB2_26-.Ltmp17, $4  }
0xee: {  	[tilespmem:s22+$0x7D00] =	vst.msk vm0, v9  }
0xef: {  	s28 =	simm.s32 $0xAC20;
	[tilespmem:s22+$0xBC80] =	vst.msk vm0, v10  }
0xf0: {  	s29 =	simm.s32 $0xEBA0;
	s1 =	sadd.s32 $0xFFFFFFFF, s1;
	p0 =	por $0x1, $0x1;
	v9 =	vld [tilespmem:s28+$0x0]  }
0xf1: {  	s24 =	smov.u32 s23;
	s26 =	smov.u32 s23;
	s25 =	smov.u32 s22;
	v10 =	vld [tilespmem:s29+$0x0]  }
.LBB2_27:
0xf2: {  	p1 =	sne.s32 s1, $0x1  }
0xf3: {  	p2 =	slt.s32 s24, $0x10;
	s26 =	sadd.s32 $0xFFFFFFF0, s26;
	s0 =	smov.u32 s24  }
0xf4: {  	v11 =	vmov s26;
	s0 =	simm.s32 @!p2 $0x10;
	s24 =	smov.u32 s26  }
.Ltmp18:
0xf5: {  	vm0 =	vgt.s32 v11, v4;
	s25 =	sadd.s32 s25, s0;
	(pc) =	sbr.rel @p1 .LBB2_27-.Ltmp18, $4  }
0xf6: {  	[tilespmem:s25+$0x7D00] =	vst.msk vm0, v9  }
0xf7: {  	s28 =	sadd.s32 $0x10, s28;
	[tilespmem:s25+$0xBC80] =	vst.msk vm0, v10  }
0xf8: {  	s29 =	sadd.s32 $0x10, s29;
	v9 =	vld [tilespmem:s28+$0x0]  }
0xf9: {  	s1 =	sadd.s32 $0xFFFFFFFF, s1;
	v10 =	vld [tilespmem:s29+$0x0]  }
.LBB2_28:
0xfa: {  	p1 =	slt.s32 @p0 s24, $0x10  }
0xfb: {  	s0 =	sadd.s32 @p0 $0xFFFFFFF0, s26;
	p1 =	por !p1, !p0  }
0xfc: {  	s23 =	smov.u32 @p0 s0;
	s24 =	simm.s32 @p1 $0x10  }
0xfd: {  	v11 =	vmov s23;
	s0 =	sadd.s32 @p0 s25, s24  }
0xfe: {  	vm0 =	vgt.s32 v11, v4;
	s22 =	smov.u32 @p0 s0;
	p0 =	slt.s32 s23, $0x10  }
0xff: {  	[tilespmem:s22+$0x7D00] =	vst.msk vm0, v9;
	s23 =	simm.s32 @!p0 $0x10  }
0x100: {  	[tilespmem:s22+$0xBC80] =	vst.msk vm0, v10;
	s22 =	sadd.s32 s22, s23  }
.LBB2_29:
0x101: {  	v9 =	vadd.s32 s22, v4  }
0x102: {  	s0 =	sadd.s32 $0x10, s22  }
0x103: {  	v10 =	vadd.s32 s0, v4  }
0x104: {  	s28 =	sadd.s32 $0x20, s22  }
0x105: {  	v11 =	vadd.s32 s28, v4  }
0x106: {  	s29 =	sadd.s32 $0x30, s22;
	[tilespmem:v9+s11+$0x0] =	vst.idx.msk $0xffff, v4  }
0x107: {  	[tilespmem:v9+s12+$0x0] =	vst.idx.msk $0xffff, v5;
	v9 =	vadd.s32 s29, v4  }
0x108: {  	[tilespmem:v10+s11+$0x0] =	vst.idx.msk $0xffff, v6  }
0x109: {  	[tilespmem:v10+s12+$0x0] =	vst.idx.msk $0xffff, v5  }
0x10a: {  	s23 =	sadd.s32 $0x1, s21;
	p0 =	seq.s32 s21, $0x13;
	[tilespmem:v11+s11+$0x0] =	vst.idx.msk $0xffff, v7  }
0x10b: {  	s1 =	sadd.s32 $0x3F, s22;
	s0 =	smul.u32 @!p0 $0x7D0, s23;
	[tilespmem:v11+s12+$0x0] =	vst.idx.msk $0xffff, v5  }
0x10c: {  	s22 =	simm.s32 @!p0 $0x0;
	s30 =	sand.u32 $0x3F, s1;
	s31 =	sshra.s32 s1, $0x1F;
	[tilespmem:v9+s11+$0x0] =	vst.idx.msk $0xffff, v8  }
0x10d: {  	p2 =	slt.s32 s1, $0x1;
	p1 =	sne.s32 s30, $0x0;
	s21 =	sadd.s32 @!p0 s5, s0;
	[tilespmem:v9+s12+$0x0] =	vst.idx.msk $0xffff, v5  }
0x10e: {  	[tilespmem:s22], [sflag:$0x3] =	stream.linear.gather @!p0 [hbm4b:s21+s22], $0x3E80, $0x38;
	[tilespmem:$0x1C000] =	vst v63  }
0x10f: {  	p1 =	por !p2, !p1;
	s21 =	sshrl.u32 s31, $0x1A  }
0x110: {  	p1 =	por !p1, !p1;
	s1 =	sadd.s32 s21, s1;
	s21 =	simm.s32 $0x1  }
0x111: {  	s1 =	sshra.s32 s1, $0x6;
	s21 =	simm.s32 @!p1 $0x0  }
0x112: {  	s0 =	sadd.s32 @!p0 s2, s0;
	s1 =	ssub.s32 s1, s21;
	s21 =	simm.s32 @!p0 $0x3E80  }
0x113: {  	[tilespmem:s21], [sflag:$0x3] =	stream.linear.gather @!p0 [hbm4b:s0+s22], $0x3E80, $0x38;
	[tilespmem:$0x1C000] =	vst v63  }
0x114: {  	p0 =	slt.s32 s1, $0x1  }
.Ltmp19:
0x115: {  	_ = 	snop;
	(pc) =	sbr.rel @p0 .LBB2_34-.Ltmp19, $1  }
0x116: {  	_ =	sdelay $0x3  }
0x117: {  	p1 =	sne.s32 s1, $0x1  }
.Ltmp20:
0x118: {  	_ = 	snop;
	(pc) =	sbr.rel @!p1 .LBB2_33-.Ltmp20, $3  }
0x119: {  	_ =	sdelay $0x1  }
0x11a: {  	[tilespmem:s14], [sflag:$0x1] =	stream.indirect.gather [hbm4b:s3+s13], $0x80, s11, s13, $0xb8;
	[tilespmem:$0x1C000] =	vst v63  }
0x11b: {  	s21 =	simm.s32 $0x7D40;
	s1 =	sadd.s32 $0xFFFFFFFF, s1;
	p0 =	por $0x0, $0x0  }
0x11c: {  	s0 =	simm.s32 $0x7D20  }
0x11d: {  	[tilespmem:s15], [sflag:$0x2] =	stream.indirect.gather [hbm4b:s3+s13], $0x80, s0, s13, $0xb8;
	[tilespmem:$0x1C000] =	vst v63  }
0x11e: {  	p1 =	sne.s32 s1, $0x1;
	_ =	swait.ge [sflag:s10], $0x1000  }
.Ltmp21:
0x11f: {  	[sflag:s10] =	ssyncset.done $0x0;
	(pc) =	sbr.rel @!p1 .LBB2_33-.Ltmp21, $4  }
0x120: {  	[sflag:s10] =	ssyncadd.s32 $0xFFFFF000  }
0x121: {  	[tilespmem:s14], [sflag:$0x1] =	stream.indirect.gather [hbm4b:s3+s13], $0x80, s21, s13, $0xb8;
	[tilespmem:$0x1C000] =	vst v63  }
0x122: {  	s1 =	sadd.s32 $0xFFFFFFFF, s1;
	_ =	swait.ge [sflag:s16], $0x1000  }
0x123: {  	p0 =	por $0x1, $0x1;
	s21 =	simm.s32 $0x7D80;
	[sflag:s16] =	ssyncset.done $0x0  }
.LBB2_32:
0x124: {  	p1 =	sne.s32 s1, $0x1;
	s0 =	sadd.s32 $0xFFFFFFE0, s21;
	[sflag:s16] =	ssyncadd.s32 $0xFFFFF000  }
0x125: {  	[tilespmem:s15], [sflag:$0x2] =	stream.indirect.gather [hbm4b:s3+s13], $0x80, s0, s13, $0xb8;
	[tilespmem:$0x1C000] =	vst v63  }
0x126: {  	s1 =	sadd.s32 $0xFFFFFFFF, s1;
	_ =	swait.ge [sflag:s10], $0x1000  }
.Ltmp22:
0x127: {  	[sflag:s10] =	ssyncset.done $0x0;
	(pc) =	sbr.rel @p1 .LBB2_32-.Ltmp22, $4  }
0x128: {  	[sflag:s10] =	ssyncadd.s32 $0xFFFFF000  }
0x129: {  	[tilespmem:s14], [sflag:$0x1] =	stream.indirect.gather [hbm4b:s3+s13], $0x80, s21, s13, $0xb8;
	[tilespmem:$0x1C000] =	vst v63  }
0x12a: {  	_ =	swait.ge [sflag:s16], $0x1000  }
0x12b: {  	s21 =	sadd.s32 $0x40, s21;
	[sflag:s16] =	ssyncset.done $0x0  }
.Ltmp23:
0x12c: {  	_ = 	snop;
	(pc) =	sbr.rel .LBB2_33-.Ltmp23, $1  }
0x12d: {  	_ =	sdelay $0x3  }
.LBB2_10:
.Ltmp24:
0x12e: {  	(pc) =	sbr.rel .LBB2_14-.Ltmp24, $2  }
0x12f: {  	_ =	sdelay $0x2  }
0x130: {  	s29 =	smov.u32 s0;
	s28 =	smov.u32 s22  }
.LBB2_17:
.Ltmp25:
0x131: {  	(pc) =	sbr.rel .LBB2_21-.Ltmp25, $2  }
0x132: {  	_ =	sdelay $0x2  }
0x133: {  	s28 =	smov.u32 s24;
	s26 =	smov.u32 s22  }
.LBB2_24:
.Ltmp26:
0x134: {  	(pc) =	sbr.rel .LBB2_28-.Ltmp26, $2  }
0x135: {  	_ =	sdelay $0x2  }
0x136: {  	s26 =	smov.u32 s23;
	s25 =	smov.u32 s22  }
.LBB2_12:
.Ltmp27:
0x137: {  	(pc) =	sbr.rel .LBB2_14-.Ltmp27, $2  }
0x138: {  	_ =	sdelay $0x2  }
0x139: {  	s25 =	smov.u32 s0;
	s29 =	smov.u32 s0;
	s28 =	smov.u32 s22  }
.LBB2_19:
.Ltmp28:
0x13a: {  	(pc) =	sbr.rel .LBB2_21-.Ltmp28, $2  }
0x13b: {  	_ =	sdelay $0x2  }
0x13c: {  	s25 =	smov.u32 s24;
	s28 =	smov.u32 s24;
	s26 =	smov.u32 s22  }
.LBB2_26:
.Ltmp29:
0x13d: {  	(pc) =	sbr.rel .LBB2_28-.Ltmp29, $2  }
0x13e: {  	_ =	sdelay $0x2  }
0x13f: {  	s24 =	smov.u32 s23;
	s26 =	smov.u32 s23;
	s25 =	smov.u32 s22  }
.LBB2_36:
0x140: {  	_ =	sfence.sel $0x180000  }
0x141: {  	[bflag:$0x0] =	sbarrier.arrive $0xFFFF  }
0x142: {  	_ =	strace $0x90000047  }
0x143: {  	s0 =	stileid.u32;
	[bflag:$0x2] =	sbarrier.arrive $0xFFFF  }
0x144: {  	p0 =	sne.s32 s0, $0x0;
	s0 =	rddreg [dreg:$0x2]  }
0x145: {  	s0 =	sadd.s32 @!p0 $0x100000, s0  }
0x146: {  	[sflag:s0] =	ssyncadd.tile.s32 @!p0 $0x1;
	_ =	shalt  }
.Lfunc_end2:
_tile_overlayer_lowered:
.L_overlay_start_2:
0x147: {  	(tag) =	ssettag $0x2  }
0x148: {  	s0 =	rddreg [dreg:$0x0];
	s2 =	stileid.u32  }
0x149: {  	s1 =	rddreg [dreg:$0x1];
	p0 =	sne.s32 s2, $0x0  }
0x14a: {  	s3 =	rddreg [dreg:$0x2];
	[bflag:$0x3] =	sbarrier.arrive $0xFFFF;
	s2 =	simm.s32 @!p0 $0x1C04  }
0x14b: {  	[timem:s3], [sflag:s2] =	dma.local @!p0 [hbm:s0], s1  }
0x14c: {  	s0 =	simm.s32 @!p0 $0x4  }
0x14d: {  	_ =	swait.ge @!p0 [sflag:s0], s1  }
0x14e: {  	s1 =	ssub.s32 @!p0 $0x0, s1;
	[sflag:s0] =	ssyncset.done @!p0 $0x0  }
0x14f: {  	[sflag:s0] =	ssyncadd.s32 @!p0 s1  }
0x150: {  	[bflag:$0x3] =	sbarrier.arrive $0xFFFF  }
0x151: {  	_ =	shalt  }

</sc_bundles>
